<compile_context>
chip_gen: v7x
topology: tpu7x:2x2x1
jax: 0.10.2.dev20260603
libtpu: 0.0.44.dev20260713+nightly
codegen_flags: <defaults>
</compile_context>

<pallas_src>
import functools

import jax
import jax.numpy as jnp
from jax import lax
from jax.experimental import pallas as pl
from jax.experimental.pallas import tpu as pltpu
from jax.experimental.pallas import tpu_sc as plsc

_VOCAB = 1000000
_EMB = 64
_HID = 128
_B = 16384
_L = 50


_BLKC = 51200
_NBLK = -(-_VOCAB // _BLKC)


def _score_body(w1_ref, b1_ref, w2_ref, b2_ref, tt_ref, s_ref):
    w2 = w2_ref[...]
    w = jnp.dot(w2, w1_ref[...], preferred_element_type=jnp.float32,
                precision=lax.Precision.HIGHEST)
    c = jnp.sum(w2 * b1_ref[...]) + b2_ref[0, 0]
    t = tt_ref[...]
    s = lax.dot_general(w, t, (((1,), (0,)), ((), ())),
                        preferred_element_type=jnp.float32)
    s_ref[...] = ((s + c) * (1.0 / _L)).reshape(1, 1, _BLKC)


_score = pl.pallas_call(
    _score_body,
    grid=(_NBLK,),
    in_specs=[
        pl.BlockSpec((_HID, _EMB), lambda i: (0, 0)),
        pl.BlockSpec((1, _HID), lambda i: (0, 0)),
        pl.BlockSpec((1, _HID), lambda i: (0, 0)),
        pl.BlockSpec((1, 1), lambda i: (0, 0)),
        pl.BlockSpec((_EMB, _BLKC), lambda i: (0, i)),
    ],
    out_specs=pl.BlockSpec((1, 1, _BLKC), lambda i: (i, 0, 0)),
    out_shape=jax.ShapeDtypeStruct((_NBLK, 1, _BLKC), jnp.float32),
)


_NC, _NS, _LANES = 2, 16, 16
_NW = _NC * _NS
_TOK_W = (_B * _L) // _NW
_BAG_W = _B // _NW
_GRP = _BAG_W // _LANES

_sc_mesh = plsc.VectorSubcoreMesh(core_axis_name="c", subcore_axis_name="s")


@functools.partial(
    pl.kernel,
    mesh=_sc_mesh,
    out_type=jax.ShapeDtypeStruct((_B,), jnp.float32),
    compiler_params=pltpu.CompilerParams(needs_layout_passes=False),
    scratch_types=[
        pltpu.VMEM((_TOK_W,), jnp.int32),
        pltpu.VMEM((_TOK_W,), jnp.float32),
        pltpu.VMEM((_BAG_W,), jnp.float32),
        pltpu.SemaphoreType.DMA,
    ],
)
def _pool(s_hbm, idx_hbm, out_hbm, idx_v, val_v, out_v, sem):
    wid = lax.axis_index("s") * _NC + lax.axis_index("c")
    tbase = wid * _TOK_W
    pltpu.sync_copy(idx_hbm.at[pl.ds(tbase, _TOK_W)], idx_v)
    pltpu.async_copy(s_hbm.at[idx_v], val_v, sem).wait()
    lane50 = jnp.arange(_LANES, dtype=jnp.int32) * _L

    def body(g, carry):
        base = lane50 + g * (_LANES * _L)
        acc = plsc.load_gather(val_v, [base])
        for l in range(1, _L):
            acc = acc + plsc.load_gather(val_v, [base + l])
        out_v[pl.ds(g * _LANES, _LANES)] = acc
        return carry

    lax.fori_loop(0, _GRP, body, 0)
    pltpu.sync_copy(out_v, out_hbm.at[pl.ds(wid * _BAG_W, _BAG_W)])


def kernel(input_batch, emb_table, W1, b1, W2, b2):
    s = _score(W1, b1.reshape(1, _HID), W2, b2.reshape(1, 1), emb_table.T)
    out = _pool(s.reshape(_NBLK * _BLKC), input_batch.reshape(_B * _L))
    return out.reshape(_B, 1)

# --- scband reference (transcript-rebuilt; emitter-appended) ---
"""Pipeline reference for scband-model-53360673685870 (READ-ONLY COPY).

The authoritative reference and input builder live on the scoring server;
editing this copy changes nothing except your own understanding.
"""

import jax, jax.numpy as jnp
import numpy as np

VOCAB = 1000000
EMB = 64
HID = 128
OUT = 1
B = 16384
L = 50

def setup_inputs(seed: int = 0) -> dict:
    key = jax.random.key(seed)
    k1, k2, k3, k4, k5 = jax.random.split(key, 5)
    input_batch = jax.random.randint(k1, (B, L), 0, VOCAB, dtype=jnp.int64 if jax.config.jax_enable_x64 else jnp.int32)
    emb_table = jax.random.normal(k2, (VOCAB, EMB), dtype=jnp.float32) * 0.02
    W1 = jax.random.normal(k3, (HID, EMB), dtype=jnp.float32) * 0.05
    b1 = jnp.zeros((HID,), dtype=jnp.float32)
    W2 = jax.random.normal(k4, (OUT, HID), dtype=jnp.float32) * 0.05
    b2 = jnp.zeros((OUT,), dtype=jnp.float32)
    return {"input_batch": input_batch, "emb_table": emb_table, "W1": W1, "b1": b1, "W2": W2, "b2": b2}

def reference(input_batch, emb_table, W1, b1, W2, b2):
    # nn.EmbeddingBag(mode='mean') with 2D input: gather then mean over bag dim
    gathered = jnp.take(emb_table, input_batch, axis=0)  # [B, L, EMB]
    embedding = jnp.mean(gathered, axis=1)               # [B, EMB]
    # dropout is identity in eval mode
    h = embedding @ W1.T + b1                            # [B, HID]
    out = h @ W2.T + b2                                  # [B, OUT]
    return out

if __name__ == "__main__":
    import jax
    _d = setup_inputs()
    print(jax.jit(kernel)(*tuple(_d.values())))

</pallas_src>

<mosaic_0001>
#map = affine_map<(d0, d1) -> (0)>
module attributes {stable_mosaic.version = 14 : i64} {
  func.func @_pool(%arg0: i32, %arg1: i32, %arg2: memref<1024000xf32, #tpu.memory_space<hbm>>, %arg3: memref<819200xi32, #tpu.memory_space<hbm>>, %arg4: memref<16384xf32, #tpu.memory_space<hbm>>, %arg5: memref<25600xi32, #tpu.memory_space<vmem>>, %arg6: memref<25600xf32, #tpu.memory_space<vmem>>, %arg7: memref<512xf32, #tpu.memory_space<vmem>>, %arg8: memref<!tpu.dma_semaphore, #tpu.memory_space<semaphore_mem>>) attributes {dimension_semantics = [#tpu.dimension_semantics<core_parallel>, #tpu.dimension_semantics<subcore_parallel>], iteration_bounds = array<i64: 2, 16>, scalar_prefetch = 0 : i64, scratch_operands = 4 : i64, tpu.core_type = #tpu.core_type<sc_vector_subcore>, window_params = [{transform_indices = #map}, {transform_indices = #map}, {transform_indices = #map}]} {
    %mul3A = arith.constant 2 : i32
    %mul3A_0 = arith.muli %arg1, %mul3A : i32
    %add3A = arith.addi %mul3A_0, %arg0 : i32
    %mul3A_1 = arith.constant 25600 : i32
    %mul3A_2 = arith.muli %add3A, %mul3A_1 : i32
    "tpu.region"() ({
      %run_scoped3A = tpu.sem_alloc : memref<!tpu.dma_semaphore, #tpu.memory_space<semaphore_mem>>
      %dma_start3A_15 = tpu.memref_slice %arg3[%mul3A_2] : memref<819200xi32, #tpu.memory_space<hbm>> -> memref<25600xi32, #tpu.memory_space<hbm>>
      %dma_start3A_16 = tpu.memref_slice %arg3[%mul3A_2] : memref<819200xi32, #tpu.memory_space<hbm>> -> memref<25600xi32, #tpu.memory_space<hbm>>
      tpu.enqueue_dma source(%dma_start3A_16 : memref<25600xi32, #tpu.memory_space<hbm>>) target(%arg5 : memref<25600xi32, #tpu.memory_space<vmem>>) target_semaphore(%run_scoped3A : memref<!tpu.dma_semaphore, #tpu.memory_space<semaphore_mem>>)
      %dma_wait3A_17 = tpu.memref_slice %arg3[%mul3A_2] : memref<819200xi32, #tpu.memory_space<hbm>> -> memref<25600xi32, #tpu.memory_space<hbm>>
      %dma_wait3A_18 = tpu.memref_slice %arg3[%mul3A_2] : memref<819200xi32, #tpu.memory_space<hbm>> -> memref<25600xi32, #tpu.memory_space<hbm>>
      tpu.wait_dma2 semaphore(%run_scoped3A : memref<!tpu.dma_semaphore, #tpu.memory_space<semaphore_mem>>) src(%dma_wait3A_18 : memref<25600xi32, #tpu.memory_space<hbm>>) dst(%arg5 : memref<25600xi32, #tpu.memory_space<vmem>>)
      tpu.yield
    }) : () -> ()
    %dma_start3A = arith.constant 0 : i32
    %dma_start3A_3 = tpu.memref_slice %arg2[%dma_start3A] : memref<1024000xf32, #tpu.memory_space<hbm>> -> memref<1024000xf32, #tpu.memory_space<hbm>>
    tpu.enqueue_indirect_dma source(%dma_start3A_3 : memref<1024000xf32, #tpu.memory_space<hbm>>) target(%arg6 : memref<25600xf32, #tpu.memory_space<vmem>>) offsets(%arg5 : memref<25600xi32, #tpu.memory_space<vmem>>) semaphore(%arg8 : memref<!tpu.dma_semaphore, #tpu.memory_space<semaphore_mem>>)
    %dma_wait3A = arith.constant 0 : i32
    %dma_wait3A_4 = tpu.memref_slice %arg2[%dma_wait3A] : memref<1024000xf32, #tpu.memory_space<hbm>> -> memref<1024000xf32, #tpu.memory_space<hbm>>
    tpu.wait_indirect_dma semaphore(%arg8 : memref<!tpu.dma_semaphore, #tpu.memory_space<semaphore_mem>>) src(%dma_wait3A_4 : memref<1024000xf32, #tpu.memory_space<hbm>>) dst(%arg6 : memref<25600xf32, #tpu.memory_space<vmem>>)
    %iota3A = tpu.iota {dimensions = array<i32: 0>} : vector<16xi32>
    %mul3A_5 = arith.constant 50 : i32
    %mul3A_6 = vector.broadcast %mul3A_5 : i32 to vector<16xi32>
    %mul3A_7 = arith.muli %iota3A, %mul3A_6 : vector<16xi32>
    %scan3A = arith.constant 0 : i32
    %scan3A_8 = arith.constant 0 : i32
    %scan3A_9 = arith.constant 32 : i32
    %scan3A_10 = arith.addi %scan3A_8, %scan3A_9 : i32
    %scan3A_11 = arith.constant 1 : i32
    scf.for %scan3A_15 = %scan3A_8 to %scan3A_10 step %scan3A_11  : i32 {
      %mul3A_16 = arith.constant 800 : i32
      %mul3A_17 = arith.muli %scan3A_15, %mul3A_16 : i32
      %add3A_18 = vector.broadcast %mul3A_17 : i32 to vector<16xi32>
      %add3A_19 = arith.addi %mul3A_7, %add3A_18 : vector<16xi32>
      %gather3A = tpu.vector_load_idx %arg6[%add3A_19] : memref<25600xf32, #tpu.memory_space<vmem>>[vector<16xi32>], vector<16xf32>,
      %add3A_20 = arith.constant 1 : i32
      %add3A_21 = vector.broadcast %add3A_20 : i32 to vector<16xi32>
      %add3A_22 = arith.addi %add3A_19, %add3A_21 : vector<16xi32>
      %gather3A_23 = tpu.vector_load_idx %arg6[%add3A_22] : memref<25600xf32, #tpu.memory_space<vmem>>[vector<16xi32>], vector<16xf32>,
      %add3A_24 = arith.addf %gather3A, %gather3A_23 : vector<16xf32>
      %add3A_25 = arith.constant 2 : i32
      %add3A_26 = vector.broadcast %add3A_25 : i32 to vector<16xi32>
      %add3A_27 = arith.addi %add3A_19, %add3A_26 : vector<16xi32>
      %gather3A_28 = tpu.vector_load_idx %arg6[%add3A_27] : memref<25600xf32, #tpu.memory_space<vmem>>[vector<16xi32>], vector<16xf32>,
      %add3A_29 = arith.addf %add3A_24, %gather3A_28 : vector<16xf32>
      %add3A_30 = arith.constant 3 : i32
      %add3A_31 = vector.broadcast %add3A_30 : i32 to vector<16xi32>
      %add3A_32 = arith.addi %add3A_19, %add3A_31 : vector<16xi32>
      %gather3A_33 = tpu.vector_load_idx %arg6[%add3A_32] : memref<25600xf32, #tpu.memory_space<vmem>>[vector<16xi32>], vector<16xf32>,
      %add3A_34 = arith.addf %add3A_29, %gather3A_33 : vector<16xf32>
      %add3A_35 = arith.constant 4 : i32
      %add3A_36 = vector.broadcast %add3A_35 : i32 to vector<16xi32>
      %add3A_37 = arith.addi %add3A_19, %add3A_36 : vector<16xi32>
      %gather3A_38 = tpu.vector_load_idx %arg6[%add3A_37] : memref<25600xf32, #tpu.memory_space<vmem>>[vector<16xi32>], vector<16xf32>,
      %add3A_39 = arith.addf %add3A_34, %gather3A_38 : vector<16xf32>
      %add3A_40 = arith.constant 5 : i32
      %add3A_41 = vector.broadcast %add3A_40 : i32 to vector<16xi32>
      %add3A_42 = arith.addi %add3A_19, %add3A_41 : vector<16xi32>
      %gather3A_43 = tpu.vector_load_idx %arg6[%add3A_42] : memref<25600xf32, #tpu.memory_space<vmem>>[vector<16xi32>], vector<16xf32>,
      %add3A_44 = arith.addf %add3A_39, %gather3A_43 : vector<16xf32>
      %add3A_45 = arith.constant 6 : i32
      %add3A_46 = vector.broadcast %add3A_45 : i32 to vector<16xi32>
      %add3A_47 = arith.addi %add3A_19, %add3A_46 : vector<16xi32>
      %gather3A_48 = tpu.vector_load_idx %arg6[%add3A_47] : memref<25600xf32, #tpu.memory_space<vmem>>[vector<16xi32>], vector<16xf32>,
      %add3A_49 = arith.addf %add3A_44, %gather3A_48 : vector<16xf32>
      %add3A_50 = arith.constant 7 : i32
      %add3A_51 = vector.broadcast %add3A_50 : i32 to vector<16xi32>
      %add3A_52 = arith.addi %add3A_19, %add3A_51 : vector<16xi32>
      %gather3A_53 = tpu.vector_load_idx %arg6[%add3A_52] : memref<25600xf32, #tpu.memory_space<vmem>>[vector<16xi32>], vector<16xf32>,
      %add3A_54 = arith.addf %add3A_49, %gather3A_53 : vector<16xf32>
      %add3A_55 = arith.constant 8 : i32
      %add3A_56 = vector.broadcast %add3A_55 : i32 to vector<16xi32>
      %add3A_57 = arith.addi %add3A_19, %add3A_56 : vector<16xi32>
      %gather3A_58 = tpu.vector_load_idx %arg6[%add3A_57] : memref<25600xf32, #tpu.memory_space<vmem>>[vector<16xi32>], vector<16xf32>,
      %add3A_59 = arith.addf %add3A_54, %gather3A_58 : vector<16xf32>
      %add3A_60 = arith.constant 9 : i32
      %add3A_61 = vector.broadcast %add3A_60 : i32 to vector<16xi32>
      %add3A_62 = arith.addi %add3A_19, %add3A_61 : vector<16xi32>
      %gather3A_63 = tpu.vector_load_idx %arg6[%add3A_62] : memref<25600xf32, #tpu.memory_space<vmem>>[vector<16xi32>], vector<16xf32>,
      %add3A_64 = arith.addf %add3A_59, %gather3A_63 : vector<16xf32>
      %add3A_65 = arith.constant 10 : i32
      %add3A_66 = vector.broadcast %add3A_65 : i32 to vector<16xi32>
      %add3A_67 = arith.addi %add3A_19, %add3A_66 : vector<16xi32>
      %gather3A_68 = tpu.vector_load_idx %arg6[%add3A_67] : memref<25600xf32, #tpu.memory_space<vmem>>[vector<16xi32>], vector<16xf32>,
      %add3A_69 = arith.addf %add3A_64, %gather3A_68 : vector<16xf32>
      %add3A_70 = arith.constant 11 : i32
      %add3A_71 = vector.broadcast %add3A_70 : i32 to vector<16xi32>
      %add3A_72 = arith.addi %add3A_19, %add3A_71 : vector<16xi32>
      %gather3A_73 = tpu.vector_load_idx %arg6[%add3A_72] : memref<25600xf32, #tpu.memory_space<vmem>>[vector<16xi32>], vector<16xf32>,
      %add3A_74 = arith.addf %add3A_69, %gather3A_73 : vector<16xf32>
      %add3A_75 = arith.constant 12 : i32
      %add3A_76 = vector.broadcast %add3A_75 : i32 to vector<16xi32>
      %add3A_77 = arith.addi %add3A_19, %add3A_76 : vector<16xi32>
      %gather3A_78 = tpu.vector_load_idx %arg6[%add3A_77] : memref<25600xf32, #tpu.memory_space<vmem>>[vector<16xi32>], vector<16xf32>,
      %add3A_79 = arith.addf %add3A_74, %gather3A_78 : vector<16xf32>
      %add3A_80 = arith.constant 13 : i32
      %add3A_81 = vector.broadcast %add3A_80 : i32 to vector<16xi32>
      %add3A_82 = arith.addi %add3A_19, %add3A_81 : vector<16xi32>
      %gather3A_83 = tpu.vector_load_idx %arg6[%add3A_82] : memref<25600xf32, #tpu.memory_space<vmem>>[vector<16xi32>], vector<16xf32>,
      %add3A_84 = arith.addf %add3A_79, %gather3A_83 : vector<16xf32>
      %add3A_85 = arith.constant 14 : i32
      %add3A_86 = vector.broadcast %add3A_85 : i32 to vector<16xi32>
      %add3A_87 = arith.addi %add3A_19, %add3A_86 : vector<16xi32>
      %gather3A_88 = tpu.vector_load_idx %arg6[%add3A_87] : memref<25600xf32, #tpu.memory_space<vmem>>[vector<16xi32>], vector<16xf32>,
      %add3A_89 = arith.addf %add3A_84, %gather3A_88 : vector<16xf32>
      %add3A_90 = arith.constant 15 : i32
      %add3A_91 = vector.broadcast %add3A_90 : i32 to vector<16xi32>
      %add3A_92 = arith.addi %add3A_19, %add3A_91 : vector<16xi32>
      %gather3A_93 = tpu.vector_load_idx %arg6[%add3A_92] : memref<25600xf32, #tpu.memory_space<vmem>>[vector<16xi32>], vector<16xf32>,
      %add3A_94 = arith.addf %add3A_89, %gather3A_93 : vector<16xf32>
      %add3A_95 = arith.constant 16 : i32
      %add3A_96 = vector.broadcast %add3A_95 : i32 to vector<16xi32>
      %add3A_97 = arith.addi %add3A_19, %add3A_96 : vector<16xi32>
      %gather3A_98 = tpu.vector_load_idx %arg6[%add3A_97] : memref<25600xf32, #tpu.memory_space<vmem>>[vector<16xi32>], vector<16xf32>,
      %add3A_99 = arith.addf %add3A_94, %gather3A_98 : vector<16xf32>
      %add3A_100 = arith.constant 17 : i32
      %add3A_101 = vector.broadcast %add3A_100 : i32 to vector<16xi32>
      %add3A_102 = arith.addi %add3A_19, %add3A_101 : vector<16xi32>
      %gather3A_103 = tpu.vector_load_idx %arg6[%add3A_102] : memref<25600xf32, #tpu.memory_space<vmem>>[vector<16xi32>], vector<16xf32>,
      %add3A_104 = arith.addf %add3A_99, %gather3A_103 : vector<16xf32>
      %add3A_105 = arith.constant 18 : i32
      %add3A_106 = vector.broadcast %add3A_105 : i32 to vector<16xi32>
      %add3A_107 = arith.addi %add3A_19, %add3A_106 : vector<16xi32>
      %gather3A_108 = tpu.vector_load_idx %arg6[%add3A_107] : memref<25600xf32, #tpu.memory_space<vmem>>[vector<16xi32>], vector<16xf32>,
      %add3A_109 = arith.addf %add3A_104, %gather3A_108 : vector<16xf32>
      %add3A_110 = arith.constant 19 : i32
      %add3A_111 = vector.broadcast %add3A_110 : i32 to vector<16xi32>
      %add3A_112 = arith.addi %add3A_19, %add3A_111 : vector<16xi32>
      %gather3A_113 = tpu.vector_load_idx %arg6[%add3A_112] : memref<25600xf32, #tpu.memory_space<vmem>>[vector<16xi32>], vector<16xf32>,
      %add3A_114 = arith.addf %add3A_109, %gather3A_113 : vector<16xf32>
      %add3A_115 = arith.constant 20 : i32
      %add3A_116 = vector.broadcast %add3A_115 : i32 to vector<16xi32>
      %add3A_117 = arith.addi %add3A_19, %add3A_116 : vector<16xi32>
      %gather3A_118 = tpu.vector_load_idx %arg6[%add3A_117] : memref<25600xf32, #tpu.memory_space<vmem>>[vector<16xi32>], vector<16xf32>,
      %add3A_119 = arith.addf %add3A_114, %gather3A_118 : vector<16xf32>
      %add3A_120 = arith.constant 21 : i32
      %add3A_121 = vector.broadcast %add3A_120 : i32 to vector<16xi32>
      %add3A_122 = arith.addi %add3A_19, %add3A_121 : vector<16xi32>
      %gather3A_123 = tpu.vector_load_idx %arg6[%add3A_122] : memref<25600xf32, #tpu.memory_space<vmem>>[vector<16xi32>], vector<16xf32>,
      %add3A_124 = arith.addf %add3A_119, %gather3A_123 : vector<16xf32>
      %add3A_125 = arith.constant 22 : i32
      %add3A_126 = vector.broadcast %add3A_125 : i32 to vector<16xi32>
      %add3A_127 = arith.addi %add3A_19, %add3A_126 : vector<16xi32>
      %gather3A_128 = tpu.vector_load_idx %arg6[%add3A_127] : memref<25600xf32, #tpu.memory_space<vmem>>[vector<16xi32>], vector<16xf32>,
      %add3A_129 = arith.addf %add3A_124, %gather3A_128 : vector<16xf32>
      %add3A_130 = arith.constant 23 : i32
      %add3A_131 = vector.broadcast %add3A_130 : i32 to vector<16xi32>
      %add3A_132 = arith.addi %add3A_19, %add3A_131 : vector<16xi32>
      %gather3A_133 = tpu.vector_load_idx %arg6[%add3A_132] : memref<25600xf32, #tpu.memory_space<vmem>>[vector<16xi32>], vector<16xf32>,
      %add3A_134 = arith.addf %add3A_129, %gather3A_133 : vector<16xf32>
      %add3A_135 = arith.constant 24 : i32
      %add3A_136 = vector.broadcast %add3A_135 : i32 to vector<16xi32>
      %add3A_137 = arith.addi %add3A_19, %add3A_136 : vector<16xi32>
      %gather3A_138 = tpu.vector_load_idx %arg6[%add3A_137] : memref<25600xf32, #tpu.memory_space<vmem>>[vector<16xi32>], vector<16xf32>,
      %add3A_139 = arith.addf %add3A_134, %gather3A_138 : vector<16xf32>
      %add3A_140 = arith.constant 25 : i32
      %add3A_141 = vector.broadcast %add3A_140 : i32 to vector<16xi32>
      %add3A_142 = arith.addi %add3A_19, %add3A_141 : vector<16xi32>
      %gather3A_143 = tpu.vector_load_idx %arg6[%add3A_142] : memref<25600xf32, #tpu.memory_space<vmem>>[vector<16xi32>], vector<16xf32>,
      %add3A_144 = arith.addf %add3A_139, %gather3A_143 : vector<16xf32>
      %add3A_145 = arith.constant 26 : i32
      %add3A_146 = vector.broadcast %add3A_145 : i32 to vector<16xi32>
      %add3A_147 = arith.addi %add3A_19, %add3A_146 : vector<16xi32>
      %gather3A_148 = tpu.vector_load_idx %arg6[%add3A_147] : memref<25600xf32, #tpu.memory_space<vmem>>[vector<16xi32>], vector<16xf32>,
      %add3A_149 = arith.addf %add3A_144, %gather3A_148 : vector<16xf32>
      %add3A_150 = arith.constant 27 : i32
      %add3A_151 = vector.broadcast %add3A_150 : i32 to vector<16xi32>
      %add3A_152 = arith.addi %add3A_19, %add3A_151 : vector<16xi32>
      %gather3A_153 = tpu.vector_load_idx %arg6[%add3A_152] : memref<25600xf32, #tpu.memory_space<vmem>>[vector<16xi32>], vector<16xf32>,
      %add3A_154 = arith.addf %add3A_149, %gather3A_153 : vector<16xf32>
      %add3A_155 = arith.constant 28 : i32
      %add3A_156 = vector.broadcast %add3A_155 : i32 to vector<16xi32>
      %add3A_157 = arith.addi %add3A_19, %add3A_156 : vector<16xi32>
      %gather3A_158 = tpu.vector_load_idx %arg6[%add3A_157] : memref<25600xf32, #tpu.memory_space<vmem>>[vector<16xi32>], vector<16xf32>,
      %add3A_159 = arith.addf %add3A_154, %gather3A_158 : vector<16xf32>
      %add3A_160 = arith.constant 29 : i32
      %add3A_161 = vector.broadcast %add3A_160 : i32 to vector<16xi32>
      %add3A_162 = arith.addi %add3A_19, %add3A_161 : vector<16xi32>
      %gather3A_163 = tpu.vector_load_idx %arg6[%add3A_162] : memref<25600xf32, #tpu.memory_space<vmem>>[vector<16xi32>], vector<16xf32>,
      %add3A_164 = arith.addf %add3A_159, %gather3A_163 : vector<16xf32>
      %add3A_165 = arith.constant 30 : i32
      %add3A_166 = vector.broadcast %add3A_165 : i32 to vector<16xi32>
      %add3A_167 = arith.addi %add3A_19, %add3A_166 : vector<16xi32>
      %gather3A_168 = tpu.vector_load_idx %arg6[%add3A_167] : memref<25600xf32, #tpu.memory_space<vmem>>[vector<16xi32>], vector<16xf32>,
      %add3A_169 = arith.addf %add3A_164, %gather3A_168 : vector<16xf32>
      %add3A_170 = arith.constant 31 : i32
      %add3A_171 = vector.broadcast %add3A_170 : i32 to vector<16xi32>
      %add3A_172 = arith.addi %add3A_19, %add3A_171 : vector<16xi32>
      %gather3A_173 = tpu.vector_load_idx %arg6[%add3A_172] : memref<25600xf32, #tpu.memory_space<vmem>>[vector<16xi32>], vector<16xf32>,
      %add3A_174 = arith.addf %add3A_169, %gather3A_173 : vector<16xf32>
      %add3A_175 = arith.constant 32 : i32
      %add3A_176 = vector.broadcast %add3A_175 : i32 to vector<16xi32>
      %add3A_177 = arith.addi %add3A_19, %add3A_176 : vector<16xi32>
      %gather3A_178 = tpu.vector_load_idx %arg6[%add3A_177] : memref<25600xf32, #tpu.memory_space<vmem>>[vector<16xi32>], vector<16xf32>,
      %add3A_179 = arith.addf %add3A_174, %gather3A_178 : vector<16xf32>
      %add3A_180 = arith.constant 33 : i32
      %add3A_181 = vector.broadcast %add3A_180 : i32 to vector<16xi32>
      %add3A_182 = arith.addi %add3A_19, %add3A_181 : vector<16xi32>
      %gather3A_183 = tpu.vector_load_idx %arg6[%add3A_182] : memref<25600xf32, #tpu.memory_space<vmem>>[vector<16xi32>], vector<16xf32>,
      %add3A_184 = arith.addf %add3A_179, %gather3A_183 : vector<16xf32>
      %add3A_185 = arith.constant 34 : i32
      %add3A_186 = vector.broadcast %add3A_185 : i32 to vector<16xi32>
      %add3A_187 = arith.addi %add3A_19, %add3A_186 : vector<16xi32>
      %gather3A_188 = tpu.vector_load_idx %arg6[%add3A_187] : memref<25600xf32, #tpu.memory_space<vmem>>[vector<16xi32>], vector<16xf32>,
      %add3A_189 = arith.addf %add3A_184, %gather3A_188 : vector<16xf32>
      %add3A_190 = arith.constant 35 : i32
      %add3A_191 = vector.broadcast %add3A_190 : i32 to vector<16xi32>
      %add3A_192 = arith.addi %add3A_19, %add3A_191 : vector<16xi32>
      %gather3A_193 = tpu.vector_load_idx %arg6[%add3A_192] : memref<25600xf32, #tpu.memory_space<vmem>>[vector<16xi32>], vector<16xf32>,
      %add3A_194 = arith.addf %add3A_189, %gather3A_193 : vector<16xf32>
      %add3A_195 = arith.constant 36 : i32
      %add3A_196 = vector.broadcast %add3A_195 : i32 to vector<16xi32>
      %add3A_197 = arith.addi %add3A_19, %add3A_196 : vector<16xi32>
      %gather3A_198 = tpu.vector_load_idx %arg6[%add3A_197] : memref<25600xf32, #tpu.memory_space<vmem>>[vector<16xi32>], vector<16xf32>,
      %add3A_199 = arith.addf %add3A_194, %gather3A_198 : vector<16xf32>
      %add3A_200 = arith.constant 37 : i32
      %add3A_201 = vector.broadcast %add3A_200 : i32 to vector<16xi32>
      %add3A_202 = arith.addi %add3A_19, %add3A_201 : vector<16xi32>
      %gather3A_203 = tpu.vector_load_idx %arg6[%add3A_202] : memref<25600xf32, #tpu.memory_space<vmem>>[vector<16xi32>], vector<16xf32>,
      %add3A_204 = arith.addf %add3A_199, %gather3A_203 : vector<16xf32>
      %add3A_205 = arith.constant 38 : i32
      %add3A_206 = vector.broadcast %add3A_205 : i32 to vector<16xi32>
      %add3A_207 = arith.addi %add3A_19, %add3A_206 : vector<16xi32>
      %gather3A_208 = tpu.vector_load_idx %arg6[%add3A_207] : memref<25600xf32, #tpu.memory_space<vmem>>[vector<16xi32>], vector<16xf32>,
      %add3A_209 = arith.addf %add3A_204, %gather3A_208 : vector<16xf32>
      %add3A_210 = arith.constant 39 : i32
      %add3A_211 = vector.broadcast %add3A_210 : i32 to vector<16xi32>
      %add3A_212 = arith.addi %add3A_19, %add3A_211 : vector<16xi32>
      %gather3A_213 = tpu.vector_load_idx %arg6[%add3A_212] : memref<25600xf32, #tpu.memory_space<vmem>>[vector<16xi32>], vector<16xf32>,
      %add3A_214 = arith.addf %add3A_209, %gather3A_213 : vector<16xf32>
      %add3A_215 = arith.constant 40 : i32
      %add3A_216 = vector.broadcast %add3A_215 : i32 to vector<16xi32>
      %add3A_217 = arith.addi %add3A_19, %add3A_216 : vector<16xi32>
      %gather3A_218 = tpu.vector_load_idx %arg6[%add3A_217] : memref<25600xf32, #tpu.memory_space<vmem>>[vector<16xi32>], vector<16xf32>,
      %add3A_219 = arith.addf %add3A_214, %gather3A_218 : vector<16xf32>
      %add3A_220 = arith.constant 41 : i32
      %add3A_221 = vector.broadcast %add3A_220 : i32 to vector<16xi32>
      %add3A_222 = arith.addi %add3A_19, %add3A_221 : vector<16xi32>
      %gather3A_223 = tpu.vector_load_idx %arg6[%add3A_222] : memref<25600xf32, #tpu.memory_space<vmem>>[vector<16xi32>], vector<16xf32>,
      %add3A_224 = arith.addf %add3A_219, %gather3A_223 : vector<16xf32>
      %add3A_225 = arith.constant 42 : i32
      %add3A_226 = vector.broadcast %add3A_225 : i32 to vector<16xi32>
      %add3A_227 = arith.addi %add3A_19, %add3A_226 : vector<16xi32>
      %gather3A_228 = tpu.vector_load_idx %arg6[%add3A_227] : memref<25600xf32, #tpu.memory_space<vmem>>[vector<16xi32>], vector<16xf32>,
      %add3A_229 = arith.addf %add3A_224, %gather3A_228 : vector<16xf32>
      %add3A_230 = arith.constant 43 : i32
      %add3A_231 = vector.broadcast %add3A_230 : i32 to vector<16xi32>
      %add3A_232 = arith.addi %add3A_19, %add3A_231 : vector<16xi32>
      %gather3A_233 = tpu.vector_load_idx %arg6[%add3A_232] : memref<25600xf32, #tpu.memory_space<vmem>>[vector<16xi32>], vector<16xf32>,
      %add3A_234 = arith.addf %add3A_229, %gather3A_233 : vector<16xf32>
      %add3A_235 = arith.constant 44 : i32
      %add3A_236 = vector.broadcast %add3A_235 : i32 to vector<16xi32>
      %add3A_237 = arith.addi %add3A_19, %add3A_236 : vector<16xi32>
      %gather3A_238 = tpu.vector_load_idx %arg6[%add3A_237] : memref<25600xf32, #tpu.memory_space<vmem>>[vector<16xi32>], vector<16xf32>,
      %add3A_239 = arith.addf %add3A_234, %gather3A_238 : vector<16xf32>
      %add3A_240 = arith.constant 45 : i32
      %add3A_241 = vector.broadcast %add3A_240 : i32 to vector<16xi32>
      %add3A_242 = arith.addi %add3A_19, %add3A_241 : vector<16xi32>
      %gather3A_243 = tpu.vector_load_idx %arg6[%add3A_242] : memref<25600xf32, #tpu.memory_space<vmem>>[vector<16xi32>], vector<16xf32>,
      %add3A_244 = arith.addf %add3A_239, %gather3A_243 : vector<16xf32>
      %add3A_245 = arith.constant 46 : i32
      %add3A_246 = vector.broadcast %add3A_245 : i32 to vector<16xi32>
      %add3A_247 = arith.addi %add3A_19, %add3A_246 : vector<16xi32>
      %gather3A_248 = tpu.vector_load_idx %arg6[%add3A_247] : memref<25600xf32, #tpu.memory_space<vmem>>[vector<16xi32>], vector<16xf32>,
      %add3A_249 = arith.addf %add3A_244, %gather3A_248 : vector<16xf32>
      %add3A_250 = arith.constant 47 : i32
      %add3A_251 = vector.broadcast %add3A_250 : i32 to vector<16xi32>
      %add3A_252 = arith.addi %add3A_19, %add3A_251 : vector<16xi32>
      %gather3A_253 = tpu.vector_load_idx %arg6[%add3A_252] : memref<25600xf32, #tpu.memory_space<vmem>>[vector<16xi32>], vector<16xf32>,
      %add3A_254 = arith.addf %add3A_249, %gather3A_253 : vector<16xf32>
      %add3A_255 = arith.constant 48 : i32
      %add3A_256 = vector.broadcast %add3A_255 : i32 to vector<16xi32>
      %add3A_257 = arith.addi %add3A_19, %add3A_256 : vector<16xi32>
      %gather3A_258 = tpu.vector_load_idx %arg6[%add3A_257] : memref<25600xf32, #tpu.memory_space<vmem>>[vector<16xi32>], vector<16xf32>,
      %add3A_259 = arith.addf %add3A_254, %gather3A_258 : vector<16xf32>
      %add3A_260 = arith.constant 49 : i32
      %add3A_261 = vector.broadcast %add3A_260 : i32 to vector<16xi32>
      %add3A_262 = arith.addi %add3A_19, %add3A_261 : vector<16xi32>
      %gather3A_263 = tpu.vector_load_idx %arg6[%add3A_262] : memref<25600xf32, #tpu.memory_space<vmem>>[vector<16xi32>], vector<16xf32>,
      %add3A_264 = arith.addf %add3A_259, %gather3A_263 : vector<16xf32>
      %mul3A_265 = arith.constant 16 : i32
      %mul3A_266 = arith.muli %scan3A_15, %mul3A_265 : i32
      %swap3A = arith.index_cast %mul3A_266 : i32 to index
      %swap3A_267 = tpu.vector_load %arg7[%swap3A] {strides = array<i32>} : memref<512xf32, #tpu.memory_space<vmem>>, vector<16xf32>,
      tpu.vector_store %arg7[%swap3A], %add3A_264 {strides = array<i32>} : memref<512xf32, #tpu.memory_space<vmem>>, vector<16xf32>,
    }
    %scan3A_12 = arith.constant 32 : i32
    %mul3A_13 = arith.constant 512 : i32
    %mul3A_14 = arith.muli %add3A, %mul3A_13 : i32
    "tpu.region"() ({
      %run_scoped3A = tpu.sem_alloc : memref<!tpu.dma_semaphore, #tpu.memory_space<semaphore_mem>>
      %dma_start3A_15 = tpu.memref_slice %arg4[%mul3A_14] : memref<16384xf32, #tpu.memory_space<hbm>> -> memref<512xf32, #tpu.memory_space<hbm>>
      %dma_start3A_16 = tpu.memref_slice %arg4[%mul3A_14] : memref<16384xf32, #tpu.memory_space<hbm>> -> memref<512xf32, #tpu.memory_space<hbm>>
      tpu.enqueue_dma source(%arg7 : memref<512xf32, #tpu.memory_space<vmem>>) target(%dma_start3A_16 : memref<512xf32, #tpu.memory_space<hbm>>) target_semaphore(%run_scoped3A : memref<!tpu.dma_semaphore, #tpu.memory_space<semaphore_mem>>)
      %dma_wait3A_17 = tpu.memref_slice %arg4[%mul3A_14] : memref<16384xf32, #tpu.memory_space<hbm>> -> memref<512xf32, #tpu.memory_space<hbm>>
      %dma_wait3A_18 = tpu.memref_slice %arg4[%mul3A_14] : memref<16384xf32, #tpu.memory_space<hbm>> -> memref<512xf32, #tpu.memory_space<hbm>>
      tpu.wait_dma2 semaphore(%run_scoped3A : memref<!tpu.dma_semaphore, #tpu.memory_space<semaphore_mem>>) src(%arg7 : memref<512xf32, #tpu.memory_space<vmem>>) dst(%dma_wait3A_18 : memref<512xf32, #tpu.memory_space<hbm>>)
      tpu.yield
    }) : () -> ()
    return
  }
}

module attributes {stable_mosaic.version = 14 : i64} {
  func.func @_score_body(%arg0: i32, %arg1: memref<128x64xf32, #tpu.memory_space<vmem>>, %arg2: memref<1x128xf32, #tpu.memory_space<vmem>>, %arg3: memref<1x128xf32, #tpu.memory_space<vmem>>, %arg4: memref<1x1xf32, #tpu.memory_space<vmem>>, %arg5: memref<64x51200xf32, #tpu.memory_space<vmem>>, %arg6: memref<1x1x51200xf32, #tpu.memory_space<vmem>>) attributes {dimension_semantics = [#tpu.dimension_semantics<arbitrary>], iteration_bounds = array<i64: 20>, scalar_prefetch = 0 : i64, scratch_operands = 0 : i64, tpu.core_type = #tpu.core_type<tc>, window_params = [{pipeline_mode = #tpu.pipeline_mode<synchronous>, transform_indices = @transform_0, window_bounds = array<i64: 128, 64>}, {pipeline_mode = #tpu.pipeline_mode<synchronous>, transform_indices = @transform_1, window_bounds = array<i64: 1, 128>}, {pipeline_mode = #tpu.pipeline_mode<synchronous>, transform_indices = @transform_2, window_bounds = array<i64: 1, 128>}, {pipeline_mode = #tpu.pipeline_mode<synchronous>, transform_indices = @transform_3, window_bounds = array<i64: 1, 1>}, {transform_indices = @transform_4, window_bounds = array<i64: 64, 51200>}, {transform_indices = @transform_5, window_bounds = array<i64: 1, 1, 51200>}]} {
    %get3A = arith.constant 0 : index
    %get3A_0 = arith.constant 0 : index
    %get3A_1 = vector.load %arg3[%get3A, %get3A_0] : memref<1x128xf32, #tpu.memory_space<vmem>>, vector<1x128xf32>
    %get3A_2 = arith.constant 0 : index
    %get3A_3 = arith.constant 0 : index
    %get3A_4 = vector.load %arg1[%get3A_2, %get3A_3] : memref<128x64xf32, #tpu.memory_space<vmem>>, vector<128x64xf32>
    %dot_general3A = arith.constant dense<0.000000e+00> : vector<1x64xf32>
    %dot_general3A_5 = tpu.matmul %get3A_1, %get3A_4, %dot_general3A {dimension_numbers = #tpu.dot_dimension_numbers<[1], [0], [0], [1], [0, 0, 1, 1], [], []>, precision = #tpu.contract_precision<fp32>, transpose_lhs_hint = false} : vector<1x128xf32>, vector<128x64xf32>, vector<1x64xf32> -> vector<1x64xf32>
    %get3A_6 = arith.constant 0 : index
    %get3A_7 = arith.constant 0 : index
    %get3A_8 = vector.load %arg2[%get3A_6, %get3A_7] : memref<1x128xf32, #tpu.memory_space<vmem>>, vector<1x128xf32>
    %mul3A = arith.mulf %get3A_1, %get3A_8 : vector<1x128xf32>
    %reduce_sum3A = vector.shape_cast %mul3A : vector<1x128xf32> to vector<1x1x128xf32>
    %reduce_sum3A_9 = arith.constant dense<0.000000e+00> : vector<1xf32>
    %reduce_sum3A_10 = vector.multi_reduction <add>, %reduce_sum3A, %reduce_sum3A_9 [1, 2] : vector<1x1x128xf32> to vector<1xf32>
    %reduce_sum3A_11 = vector.shape_cast %reduce_sum3A_10 : vector<1xf32> to vector<1x1x1xf32>
    %reduce_sum3A_12 = vector.extract %reduce_sum3A_11[0, 0, 0] : f32 from vector<1x1x1xf32>
    %get3A_13 = arith.constant 0 : index
    %get3A_14 = arith.constant 0 : index
    %get3A_15 = vector.load %arg4[%get3A_13, %get3A_14] : memref<1x1xf32, #tpu.memory_space<vmem>>, vector<1x1xf32>
    %get3A_16 = vector.extract %get3A_15[0, 0] : f32 from vector<1x1xf32>
    %add3A = arith.addf %reduce_sum3A_12, %get3A_16 : f32
    %get3A_17 = arith.constant 0 : index
    %get3A_18 = arith.constant 0 : index
    %get3A_19 = vector.load %arg5[%get3A_17, %get3A_18] : memref<64x51200xf32, #tpu.memory_space<vmem>>, vector<64x51200xf32>
    %dot_general3A_20 = arith.constant dense<0.000000e+00> : vector<1x51200xf32>
    %dot_general3A_21 = tpu.matmul %dot_general3A_5, %get3A_19, %dot_general3A_20 {dimension_numbers = #tpu.dot_dimension_numbers<[1], [0], [0], [1], [0, 0, 1, 1], [], []>, transpose_lhs_hint = false} : vector<1x64xf32>, vector<64x51200xf32>, vector<1x51200xf32> -> vector<1x51200xf32>
    %add3A_22 = vector.broadcast %add3A : f32 to vector<1x51200xf32>
    %add3A_23 = arith.addf %dot_general3A_21, %add3A_22 : vector<1x51200xf32>
    %mul3A_24 = arith.constant 2.000000e-02 : f32
    %mul3A_25 = vector.broadcast %mul3A_24 : f32 to vector<1x51200xf32>
    %mul3A_26 = arith.mulf %add3A_23, %mul3A_25 : vector<1x51200xf32>
    %reshape3A = vector.shape_cast %mul3A_26 : vector<1x51200xf32> to vector<1x1x51200xf32>
    %swap3A = arith.constant 0 : index
    %swap3A_27 = arith.constant 0 : index
    %swap3A_28 = arith.constant 0 : index
    %swap3A_29 = vector.load %arg6[%swap3A, %swap3A_27, %swap3A_28] : memref<1x1x51200xf32, #tpu.memory_space<vmem>>, vector<1x1x51200xf32>
    tpu.vector_store %arg6[%swap3A, %swap3A_27, %swap3A_28], %reshape3A {strides = array<i32>} : memref<1x1x51200xf32, #tpu.memory_space<vmem>>, vector<1x1x51200xf32>,
    return
  }
  func.func @transform_0(%arg0: i32) -> (i32, i32) {
    %c0_i32 = arith.constant 0 : i32
    %c0_i32_0 = arith.constant 0 : i32
    %c0_i32_1 = arith.constant 0 : i32
    return %c0_i32, %c0_i32_0 : i32, i32
  }
  func.func @transform_1(%arg0: i32) -> (i32, i32) {
    %c0_i32 = arith.constant 0 : i32
    %c0_i32_0 = arith.constant 0 : i32
    %c0_i32_1 = arith.constant 0 : i32
    return %c0_i32, %c0_i32_0 : i32, i32
  }
  func.func @transform_2(%arg0: i32) -> (i32, i32) {
    %c0_i32 = arith.constant 0 : i32
    %c0_i32_0 = arith.constant 0 : i32
    %c0_i32_1 = arith.constant 0 : i32
    return %c0_i32, %c0_i32_0 : i32, i32
  }
  func.func @transform_3(%arg0: i32) -> (i32, i32) {
    %c0_i32 = arith.constant 0 : i32
    %c0_i32_0 = arith.constant 0 : i32
    %c0_i32_1 = arith.constant 0 : i32
    return %c0_i32, %c0_i32_0 : i32, i32
  }
  func.func @transform_4(%arg0: i32) -> (i32, i32) {
    %c0_i32 = arith.constant 0 : i32
    %c0_i32_0 = arith.constant 0 : i32
    return %c0_i32, %arg0 : i32, i32
  }
  func.func @transform_5(%arg0: i32) -> (i32, i32, i32) {
    %c0_i32 = arith.constant 0 : i32
    %c0_i32_0 = arith.constant 0 : i32
    %c0_i32_1 = arith.constant 0 : i32
    return %arg0, %c0_i32, %c0_i32_0 : i32, i32, i32
  }
}

</mosaic_0001>

<sc_bundles>
// kernel: kernel.4.cloned.1.call-start
scs
__scs_entry_jumppad:
0x0: {  	(pc) =	sbr.rel $0x88, $3  }
0x1: {  	(tag) =	ssettag $0x0;
	lr =	simm.s32 $0x1  }
0x2: {  	[smem:$0x3F9B] =	sst lr;
	_ =	strace $0xD0000000  }
0x3: {  	_ = 	snop  }
0x4: {  	_ = 	snop  }
0x5: {  	_ = 	snop  }
0x6: {  	_ = 	snop  }
0x7: {  	_ = 	snop  }
__scs_overlays_trampoline_lowered:
0x8: {  	[smem:$0x3FAA] =	sst s0  }
0x9: {  	[smem:$0x3FAB] =	sst s1  }
0xa: {  	[smem:$0x3FAC] =	sst s2  }
0xb: {  	[smem:$0x3FAD] =	sst s3  }
0xc: {  	[smem:$0x3FAE] =	sst s4  }
0xd: {  	[smem:$0x3FAF] =	sst s5  }
0xe: {  	[smem:$0x3FB0] =	sst s6  }
0xf: {  	[smem:$0x3FB1] =	sst s7  }
0x10: {  	[smem:$0x3FB2] =	sst s8  }
0x11: {  	[smem:$0x3FB3] =	sst s9;
	s0 =	simm.s32 @!p0 $0x0  }
0x12: {  	s1 =	sld [smem:$0x3F99];
	s0 =	simm.s32 @p0 $0x1  }
0x13: {  	[smem:$0x3FB4] =	sst s0;
	s0 =	simm.s32 @!p1 $0x0  }
0x14: {  	s2 =	sld [smem:$0x3F98];
	s0 =	simm.s32 @p1 $0x1  }
0x15: {  	[smem:$0x3FB5] =	sst s0;
	s0 =	simm.s32 @!p2 $0x0  }
0x16: {  	s3 =	sld [smem:$0x3FDB];
	s0 =	simm.s32 @p2 $0x1  }
0x17: {  	s4 =	simm.s32 $0x1BF5;
	[smem:$0x3FB7] =	sst s0  }
0x18: {  	s0 =	sld [smem:$0x3F9A];
	_ =	swait.ge [sflag:s4], $0x0  }
0x19: {  	s7 =	sld [smem:$0x3F9B]  }
0x1a: {  	s8 =	sadd.s32 $0xFFFFE003, lr  }
0x1b: {  	s9 =	sadd.s32 $0xFFFFFEF7, lr;
	s5 =	simm.s32 $0xFFFFFFFF;
	p2 =	slt.u32 s8, $0xFFFFF086  }
0x1c: {  	p1 =	slt.u32 s9, $0xF7A;
	s5 =	simm.s32 @!p2 $0x0  }
0x1d: {  	s5 =	simm.s32 @p1 $0x1;
	p0 =	seq.s32 s7, s2  }
0x1e: {  	s7 =	smul.u32 @!p0 $0xF7A, s2;
	p2 =	seq.s32 @!p0 s5, $0x0  }
0x1f: {  	s9 =	smul.u32 $0xF7A, s1;
	s8 =	simm.s32 @!p0 $0x1BF5;
	p2 =	por !p2, p0  }
0x20: {  	[sflag:s8] =	ssyncset.s32 @!p0 $0xFFFFF086;
	s6 =	sadd.s32 @!p0 s3, s7;
	s7 =	simm.s32 @!p0 $0x108  }
0x21: {  	s3 =	sadd.s32 s3, s9;
	s6 =	sadd.s32 @!p0 $0x88, s6;
	s7 =	simm.s32 @p2 $0x1082  }
0x22: {  	[simem:s7], [sflag:s8] =	dma.local @!p0 [hbm:s6], $0xF7A  }
0x23: {  	s9 =	sor.u32 $0xD0000000, s2;
	s6 =	simm.s32 $0x108;
	_ =	swait.ge @!p0 [sflag:s8], $0x0  }
0x24: {  	s3 =	sadd.s32 $0x88, s3;
	s6 =	simm.s32 @!p1 $0x1082;
	[sflag:s4] =	ssyncset.s32 $0xFFFFF086  }
0x25: {  	[simem:s6], [sflag:s4] =	dma.local [hbm:s3], $0xF7A  }
0x26: {  	[smem:$0x3F9B] =	sst s1;
	(tag) =	ssettag s2;
	_ =	strace s9  }
0x27: {  	s1 =	sld [smem:$0x3FAB]  }
0x28: {  	s2 =	sld [smem:$0x3FAC]  }
0x29: {  	s4 =	sld [smem:$0x3FAE]  }
0x2a: {  	p0 =	seq.s32 s5, $0x0;
	s5 =	sld [smem:$0x3FAF]  }
0x2b: {  	s6 =	sld [smem:$0x3FB0]  }
0x2c: {  	s7 =	sld [smem:$0x3FB1]  }
0x2d: {  	s3 =	simm.s32 $0x108;
	s8 =	sld [smem:$0x3FB2]  }
0x2e: {  	s3 =	simm.s32 @!p0 $0x1082;
	s9 =	sld [smem:$0x3FB3]  }
0x2f: {  	lr =	sadd.s32 s0, s3;
	s0 =	sld [smem:$0x3FAA]  }
0x30: {  	s3 =	sld [smem:$0x3FAD]  }
0x31: {  	[smem:$0x3FB6] =	sst s10  }
0x32: {  	s10 =	sld [smem:$0x3FB4];
	_ =	sdelay $0x3  }
0x33: {  	p0 =	seq.s32 s10, $0x1;
	s10 =	sld [smem:$0x3FB6];
	_ =	sdelay $0x3  }
0x34: {  	[smem:$0x3FB6] =	sst s10  }
0x35: {  	s10 =	sld [smem:$0x3FB5];
	_ =	sdelay $0x3  }
0x36: {  	p1 =	seq.s32 s10, $0x1;
	s10 =	sld [smem:$0x3FB6];
	_ =	sdelay $0x3  }
0x37: {  	[smem:$0x3FB6] =	sst s10  }
0x38: {  	s10 =	sld [smem:$0x3FB7]  }
0x39: {  	_ = 	snop;
	(pc) =	sbr.ind lr, $3  }
0x3a: {  	_ = 	snop  }
0x3b: {  	_ = 	snop  }
0x3c: {  	p2 =	seq.s32 s10, $0x1;
	s10 =	sld [smem:$0x3FB6]  }
0x3d: {  	_ =	shalt  }
0x3e: {  	_ =	shalt  }
0x3f: {  	_ =	shalt  }
0x40: {  	_ =	shalt  }
0x41: {  	_ =	shalt  }
0x42: {  	_ =	shalt  }
0x43: {  	_ =	shalt  }
0x44: {  	_ =	shalt  }
0x45: {  	_ =	shalt  }
0x46: {  	_ =	shalt  }
0x47: {  	_ =	shalt  }
0x48: {  	_ =	shalt  }
0x49: {  	_ =	shalt  }
0x4a: {  	_ =	shalt  }
0x4b: {  	_ =	shalt  }
0x4c: {  	_ =	shalt  }
0x4d: {  	_ =	shalt  }
0x4e: {  	_ =	shalt  }
0x4f: {  	_ =	shalt  }
0x50: {  	_ =	shalt  }
0x51: {  	_ =	shalt  }
0x52: {  	_ =	shalt  }
0x53: {  	_ =	shalt  }
0x54: {  	_ =	shalt  }
0x55: {  	_ =	shalt  }
0x56: {  	_ =	shalt  }
0x57: {  	_ =	shalt  }
0x58: {  	_ =	shalt  }
0x59: {  	_ =	shalt  }
0x5a: {  	_ =	shalt  }
0x5b: {  	_ =	shalt  }
0x5c: {  	_ =	shalt  }
0x5d: {  	_ =	shalt  }
0x5e: {  	_ =	shalt  }
0x5f: {  	_ =	shalt  }
0x60: {  	_ =	shalt  }
0x61: {  	_ =	shalt  }
0x62: {  	_ =	shalt  }
0x63: {  	_ =	shalt  }
0x64: {  	_ =	shalt  }
0x65: {  	_ =	shalt  }
0x66: {  	_ =	shalt  }
0x67: {  	_ =	shalt  }
0x68: {  	_ =	shalt  }
0x69: {  	_ =	shalt  }
0x6a: {  	_ =	shalt  }
0x6b: {  	_ =	shalt  }
0x6c: {  	_ =	shalt  }
0x6d: {  	_ =	shalt  }
0x6e: {  	_ =	shalt  }
0x6f: {  	_ =	shalt  }
0x70: {  	_ =	shalt  }
0x71: {  	_ =	shalt  }
0x72: {  	_ =	shalt  }
0x73: {  	_ =	shalt  }
0x74: {  	_ =	shalt  }
0x75: {  	_ =	shalt  }
0x76: {  	_ =	shalt  }
0x77: {  	_ =	shalt  }
0x78: {  	_ =	shalt  }
0x79: {  	_ =	shalt  }
0x7a: {  	_ =	shalt  }
0x7b: {  	_ =	shalt  }
0x7c: {  	_ =	shalt  }
0x7d: {  	_ =	shalt  }
0x7e: {  	_ =	shalt  }
0x7f: {  	_ =	shalt  }
0x80: {  	_ =	shalt  }
0x81: {  	_ =	shalt  }
0x82: {  	_ =	shalt  }
0x83: {  	_ =	shalt  }
0x84: {  	_ =	shalt  }
0x85: {  	_ =	shalt  }
0x86: {  	_ =	shalt  }
0x87: {  	_ =	shalt  }
.Lfunc_end0:
.L_simem_size_0:
called_computation_lowered:
.L_overlay_start_0:
0x88: {  	s2 =	sld [smem:$0x3FD9]  }
0x89: {  	s3 =	sld [smem:$0x3FFE];
	_ =	sdelay $0x1  }
0x8a: {  	s1 =	srdreg.scid  }
0x8b: {  	s0 =	sand.u32 $0x1, s1  }
0x8c: {  	s17 =	sshll.u32 s0, $0xA;
	s2 =	sadd.s32 s3, s2  }
0x8d: {  	s2 =	sadd.s32 s2, s17  }
0x8e: {  	[smem:$0x3FC2] =	sst s2  }
0x8f: {  	_ = 	snop  }
0x90: {  	s2 =	sld [smem:$0x3FD0];
	(tm) =	ssettm $0x1  }
0x91: {  	s18 =	sld [smem:$0x3FFB];
	_ =	sdelay $0x3  }
0x92: {  	_ =	strace s18  }
0x93: {  	s3 =	sld [smem:$0x3FFC];
	_ =	sdelay $0x3  }
0x94: {  	_ =	strace s3  }
0x95: {  	s3 =	sld [smem:$0x3FFD];
	_ =	sdelay $0x3  }
0x96: {  	_ =	strace s3  }
0x97: {  	_ =	strace $0x8FFFFFFF  }
0x98: {  	s19 =	sld [smem:$0x3FDB];
	_ =	sdelay $0x1  }
0x99: {  	s4 =	simm.s32 $_scs_section_size  }
0x9a: {  	s5 =	simm.s32 $_size__tile_overlayer_lowered;
	s6 =	simm.s32 $_tile_overlayer_lowered  }
0x9b: {  	s22 =	simm.s32 $0x1BFF;
	s21 =	sshll.u32 s6, $0x1;
	s3 =	sadd.s32 s4, s19  }
0x9c: {  	s7 =	simm.s32 $0x0;
	s20 =	sshll.u32 s5, $0x1;
	s5 =	sadd.s32 s21, s3  }
0x9d: {  	[timem:s7], [sflag:s22] =	dma.local [hbm:s5], s20  }
0x9e: {  	_ =	swait.ge [sflag:s22], s20  }
0x9f: {  	s4 =	ssub.s32 $0x0, s20;
	[sflag:s22] =	ssyncset.done $0x0  }
0xa0: {  	[sflag:s22] =	ssyncadd.s32 s4;
	_ =	sdelay $0x1  }
0xa1: {  	s23 =	simm.s32 $0x1B8B  }
0xa2: {  	_ =	swait.ge [sflag:s23], $0x1  }
0xa3: {  	[sflag:s23] =	ssyncset.done $0x0  }
0xa4: {  	s25 =	simm.s32 $0x1B8E;
	s24 =	sld [smem:$0x3FFE];
	[sflag:s23] =	ssyncadd.s32 $0xFFFFFFFF  }
0xa5: {  	s26 =	simm.s32 $execute0_lowered;
	[smem:$0x3FD2] =	sst s25  }
0xa6: {  	s5 =	sshll.u32 s26, $0x1;
	_ =	strace $0x80000046;
	[dreg:$0x1] =	wrdreg $0xFFFFFFFF  }
0xa7: {  	s28 =	simm.s32 $_size_execute0_lowered;
	s3 =	sadd.s32 s3, s5;
	[dreg:$0x0] =	wrdreg $0x0  }
0xa8: {  	s5 =	sshll.u32 s28, $0x1;
	[dreg:$0x2] =	wrdreg s3  }
0xa9: {  	[dreg:$0x3] =	wrdreg s5  }
0xaa: {  	[dreg:$0x4] =	wrdreg $0xC0  }
0xab: {  	_ =	task [dreg:s7], $0x5FFFF  }
0xac: {  	[dreg:$0x1] =	wrdreg $0xFFFFFFFF  }
0xad: {  	[dreg:$0x0] =	wrdreg $0x60  }
0xae: {  	[dreg:$0x2] =	wrdreg s24  }
0xaf: {  	[dreg:$0x3] =	wrdreg s2  }
0xb0: {  	[dreg:$0x4] =	wrdreg $0x9  }
0xb1: {  	_ =	task.clear_ibuf [dreg:s7], $0x5FFFF;
	_ =	strace $0x90000046  }
0xb2: {  	s29 =	simm.s32 $0x9;
	_ =	strace $0x80000048  }
0xb3: {  	_ =	swait.ge [sflag:s29], $0x1  }
0xb4: {  	[sflag:s29] =	ssyncadd.s32 $0xFFFFFFFF  }
0xb5: {  	_ =	strace $0x90000048  }
0xb6: {  	_ =	sfence  }
0xb7: {  	s30 =	sld [smem:$0x0];
	_ =	sdelay $0x2  }
0xb8: {  	s31 =	sshll.u32 s1, $0xD;
	s1 =	sshrl.u32 s1, $0x2  }
0xb9: {  	s3 =	sand.u32 $0x4000, s31;
	s1 =	sadd.s32 s1, s30  }
0xba: {  	s0 =	sor.u32 s3, s0;
	s1 =	sshll.u32 s1, $0x11  }
0xbb: {  	s0 =	sor.u32 s1, s0  }
0xbc: {  	s0 =	sadd.s32 $0x8F2B, s0  }
0xbd: {  	[sflag:s0] =	ssyncadd.remote.s32 $0x1  }
0xbe: {  	_ =	sfence.sel $0xFFFF  }
0xbf: {  	[dreg:$0x0] =	wrdreg $0xFFFFFFFF;
	(pc) =	sbr.abs _section_cstart, $3  }
0xc0: {  	[dreg:$0x1] =	wrdreg $0xFFFFFFFF  }
0xc1: {  	_ =	task.clear_ibuf [dreg:s7], $0x2FFFF;
	_ =	strace $0x9FFFFFFF  }
0xc2: {  	(tm) =	ssettm $0x7FFFFFFF  }
0xc3: {  	_ =	shalt  }
tec
execute0_lowered:
.L_overlay_start_1:
0x0: {  	(tag) =	ssettag $0x1  }
0x1: {  	v0 =	vlaneseq.u32  }
0x2: {  	v0 =	vmul.u32 $0x32, v0;
	_ =	sdelay $0x1  }
0x3: {  	v1 =	vor.u32 $0x1, v0  }
0x4: {  	v2 =	vadd.s32 $0x2, v0;
	v3 =	vadd.s32 $0x3, v0;
	v4 =	vadd.s32 $0x4, v0  }
0x5: {  	v5 =	vadd.s32 $0x5, v0;
	v6 =	vadd.s32 $0x6, v0;
	v7 =	vadd.s32 $0x7, v0  }
0x6: {  	v8 =	vadd.s32 $0x8, v0;
	v9 =	vadd.s32 $0x9, v0;
	v10 =	vadd.s32 $0xA, v0  }
0x7: {  	v11 =	vadd.s32 $0xB, v0;
	v12 =	vadd.s32 $0xC, v0;
	v13 =	vadd.s32 $0xD, v0  }
0x8: {  	v14 =	vadd.s32 $0xE, v0;
	v15 =	vadd.s32 $0xF, v0;
	v16 =	vadd.s32 $0x10, v0  }
0x9: {  	v17 =	vadd.s32 $0x11, v0;
	v18 =	vadd.s32 $0x12, v0;
	v19 =	vadd.s32 $0x13, v0  }
0xa: {  	v20 =	vadd.s32 $0x14, v0;
	v21 =	vadd.s32 $0x15, v0;
	v22 =	vadd.s32 $0x16, v0  }
0xb: {  	s4 =	rddreg [dreg:$0x0];
	s1 =	srdreg.scid;
	v23 =	vadd.s32 $0x17, v0;
	v24 =	vadd.s32 $0x18, v0;
	v25 =	vadd.s32 $0x19, v0  }
0xc: {  	s0 =	stileid.u32;
	s5 =	rddreg [dreg:$0x1];
	s2 =	simm.s32 $0x0;
	v26 =	vadd.s32 $0x1A, v0;
	v27 =	vadd.s32 $0x1B, v0;
	v28 =	vadd.s32 $0x1C, v0  }
0xd: {  	s9 =	simm.s32 $0x1;
	s10 =	simm.s32 $0xC800;
	s11 =	simm.s32 $0x0;
	v29 =	vadd.s32 $0x1D, v0;
	v30 =	vadd.s32 $0x1E, v0;
	v31 =	vadd.s32 $0x1F, v0  }
0xe: {  	s6 =	sand.u32 $0x1, s1;
	s3 =	sshll.u32 s0, $0x1;
	s1 =	rddreg [dreg:$0x2];
	v32 =	vadd.s32 $0x20, v0;
	v33 =	vadd.s32 $0x21, v0;
	v34 =	vadd.s32 $0x22, v0  }
0xf: {  	[smem:$0x7FF] =	sst s2;
	s7 =	sor.u32 s6, s3;
	s6 =	ssub.s32 $0x2, s6;
	v35 =	vadd.s32 $0x23, v0;
	v36 =	vadd.s32 $0x24, v0;
	v37 =	vadd.s32 $0x25, v0  }
0x10: {  	_ =	strace $0x80000047;
	s8 =	smul.u32 $0xC80, s7;
	s31 =	sshrl.u32 s6, $0x1;
	v38 =	vadd.s32 $0x26, v0;
	v39 =	vadd.s32 $0x27, v0;
	v40 =	vadd.s32 $0x28, v0  }
0x11: {  	s3 =	sadd.s32 $0x19C00, s4;
	s7 =	sshll.u32 s7, $0x6;
	v41 =	vadd.s32 $0x29, v0;
	v42 =	vadd.s32 $0x2A, v0;
	v43 =	vadd.s32 $0x2B, v0;
	s6 =	ssub.s32 s6, s31  }
0x12: {  	v44 =	vadd.s32 $0x2C, v0;
	v45 =	vadd.s32 $0x2D, v0;
	v46 =	vadd.s32 $0x2E, v0;
	s5 =	sadd.s32 s5, s7;
	s7 =	simm.s32 $0x2;
	s4 =	sadd.s32 s8, s4  }
0x13: {  	v47 =	vadd.s32 $0x2F, v0;
	v48 =	vadd.s32 $0x30, v0;
	v49 =	vadd.s32 $0x31, v0;
	s6 =	smax.u32 s6, $0x1;
	s8 =	simm.s32 $0x6400;
	s4 =	sadd.s32 $0xC00, s4  }
.LBB2_1:
0x14: {  	[tilespmem:s2], [sflag:$0x2] =	stream.linear.gather [hbm4b:s4+s2], $0x6400, $0x38;
	[tilespmem:$0xCA00] =	vst v63  }
0x15: {  	_ =	swait.ge [sflag:s7], $0x6400  }
0x16: {  	[sflag:s7] =	ssyncset.done $0x0  }
0x17: {  	v50 =	vadd.s32 s2, v1;
	[sflag:s7] =	ssyncadd.s32 $0xFFFF9C00  }
0x18: {  	v51 =	vadd.s32 s2, v0;
	[tilespmem:s8], [sflag:$0x1] =	stream.indirect.gather [hbm4b:s3+s8], $0x1, s2, s8, $0xb8;
	[tilespmem:$0xCA00] =	vst v63  }
0x19: {  	_ =	swait.ge [sflag:s9], $0x6400  }
0x1a: {  	v52 =	vadd.s32 s2, v2;
	[sflag:s9] =	ssyncset.done $0x0  }
0x1b: {  	[sflag:s9] =	ssyncadd.s32 $0xFFFF9C00  }
0x1c: {  	v53 =	vadd.s32 s2, v3;
	v50 =	vld.idx.msk [tilespmem:v50+s8+$0x0], $0xffff  }
0x1d: {  	v51 =	vld.idx.msk [tilespmem:v51+s8+$0x0], $0xffff  }
0x1e: {  	v54 =	vadd.s32 s2, v4  }
0x1f: {  	v52 =	vld.idx.msk [tilespmem:v52+s8+$0x0], $0xffff  }
0x20: {  	v55 =	vadd.s32 s2, v5  }
0x21: {  	v53 =	vld.idx.msk [tilespmem:v53+s8+$0x0], $0xffff  }
0x22: {  	v56 =	vadd.s32 s2, v6;
	v50 =	vadd.f32 v50, v51  }
0x23: {  	v60 =	vld.idx.msk [tilespmem:v54+s8+$0x0], $0xffff  }
0x24: {  	v61 =	vadd.s32 s2, v7;
	v50 =	vadd.f32 v52, v50  }
0x25: {  	v52 =	vld.idx.msk [tilespmem:v55+s8+$0x0], $0xffff  }
0x26: {  	v62 =	vadd.s32 s2, v8;
	v50 =	vadd.f32 v53, v50  }
0x27: {  	v53 =	vld.idx.msk [tilespmem:v56+s8+$0x0], $0xffff  }
0x28: {  	v63 =	vadd.s32 s2, v9;
	v50 =	vadd.f32 v60, v50  }
0x29: {  	v60 =	vld.idx.msk [tilespmem:v61+s8+$0x0], $0xffff  }
0x2a: {  	v61 =	vadd.s32 s2, v10;
	v50 =	vadd.f32 v52, v50  }
0x2b: {  	v52 =	vld.idx.msk [tilespmem:v62+s8+$0x0], $0xffff  }
0x2c: {  	v62 =	vadd.s32 s2, v11;
	v50 =	vadd.f32 v53, v50  }
0x2d: {  	v53 =	vld.idx.msk [tilespmem:v63+s8+$0x0], $0xffff  }
0x2e: {  	v63 =	vadd.s32 s2, v12;
	v50 =	vadd.f32 v60, v50  }
0x2f: {  	v60 =	vld.idx.msk [tilespmem:v61+s8+$0x0], $0xffff  }
0x30: {  	v61 =	vadd.s32 s2, v13;
	v50 =	vadd.f32 v52, v50  }
0x31: {  	v52 =	vld.idx.msk [tilespmem:v62+s8+$0x0], $0xffff  }
0x32: {  	v62 =	vadd.s32 s2, v14;
	v50 =	vadd.f32 v53, v50  }
0x33: {  	v53 =	vld.idx.msk [tilespmem:v63+s8+$0x0], $0xffff  }
0x34: {  	v63 =	vadd.s32 s2, v15;
	v50 =	vadd.f32 v60, v50  }
0x35: {  	v60 =	vld.idx.msk [tilespmem:v61+s8+$0x0], $0xffff  }
0x36: {  	v61 =	vadd.s32 s2, v16;
	v50 =	vadd.f32 v52, v50  }
0x37: {  	v52 =	vld.idx.msk [tilespmem:v62+s8+$0x0], $0xffff  }
0x38: {  	v62 =	vadd.s32 s2, v17;
	v50 =	vadd.f32 v53, v50  }
0x39: {  	v53 =	vld.idx.msk [tilespmem:v63+s8+$0x0], $0xffff  }
0x3a: {  	v63 =	vadd.s32 s2, v18;
	v50 =	vadd.f32 v60, v50  }
0x3b: {  	v60 =	vld.idx.msk [tilespmem:v61+s8+$0x0], $0xffff  }
0x3c: {  	v61 =	vadd.s32 s2, v19;
	v50 =	vadd.f32 v52, v50  }
0x3d: {  	v52 =	vld.idx.msk [tilespmem:v62+s8+$0x0], $0xffff  }
0x3e: {  	v62 =	vadd.s32 s2, v20;
	v50 =	vadd.f32 v53, v50  }
0x3f: {  	v53 =	vld.idx.msk [tilespmem:v63+s8+$0x0], $0xffff  }
0x40: {  	v63 =	vadd.s32 s2, v21;
	v50 =	vadd.f32 v60, v50  }
0x41: {  	v60 =	vld.idx.msk [tilespmem:v61+s8+$0x0], $0xffff  }
0x42: {  	v61 =	vadd.s32 s2, v22;
	v50 =	vadd.f32 v52, v50  }
0x43: {  	v52 =	vld.idx.msk [tilespmem:v62+s8+$0x0], $0xffff  }
0x44: {  	v62 =	vadd.s32 s2, v23;
	v50 =	vadd.f32 v53, v50  }
0x45: {  	v53 =	vld.idx.msk [tilespmem:v63+s8+$0x0], $0xffff  }
0x46: {  	v63 =	vadd.s32 s2, v24;
	v50 =	vadd.f32 v60, v50  }
0x47: {  	v60 =	vld.idx.msk [tilespmem:v61+s8+$0x0], $0xffff  }
0x48: {  	v61 =	vadd.s32 s2, v25;
	v50 =	vadd.f32 v52, v50  }
0x49: {  	v52 =	vld.idx.msk [tilespmem:v62+s8+$0x0], $0xffff  }
0x4a: {  	v62 =	vadd.s32 s2, v26;
	v50 =	vadd.f32 v53, v50  }
0x4b: {  	v53 =	vld.idx.msk [tilespmem:v63+s8+$0x0], $0xffff  }
0x4c: {  	v63 =	vadd.s32 s2, v27;
	v50 =	vadd.f32 v60, v50  }
0x4d: {  	v60 =	vld.idx.msk [tilespmem:v61+s8+$0x0], $0xffff  }
0x4e: {  	v61 =	vadd.s32 s2, v28;
	v50 =	vadd.f32 v52, v50  }
0x4f: {  	v52 =	vld.idx.msk [tilespmem:v62+s8+$0x0], $0xffff  }
0x50: {  	v62 =	vadd.s32 s2, v29;
	v50 =	vadd.f32 v53, v50  }
0x51: {  	v53 =	vld.idx.msk [tilespmem:v63+s8+$0x0], $0xffff  }
0x52: {  	v63 =	vadd.s32 s2, v30;
	v50 =	vadd.f32 v60, v50  }
0x53: {  	v60 =	vld.idx.msk [tilespmem:v61+s8+$0x0], $0xffff  }
0x54: {  	v61 =	vadd.s32 s2, v31;
	v50 =	vadd.f32 v52, v50  }
0x55: {  	v52 =	vld.idx.msk [tilespmem:v62+s8+$0x0], $0xffff  }
0x56: {  	v62 =	vadd.s32 s2, v32;
	v50 =	vadd.f32 v53, v50  }
0x57: {  	v53 =	vld.idx.msk [tilespmem:v63+s8+$0x0], $0xffff  }
0x58: {  	v63 =	vadd.s32 s2, v33;
	v50 =	vadd.f32 v60, v50  }
0x59: {  	v60 =	vld.idx.msk [tilespmem:v61+s8+$0x0], $0xffff  }
0x5a: {  	v61 =	vadd.s32 s2, v34;
	v50 =	vadd.f32 v52, v50  }
0x5b: {  	v52 =	vld.idx.msk [tilespmem:v62+s8+$0x0], $0xffff  }
0x5c: {  	v62 =	vadd.s32 s2, v35;
	v50 =	vadd.f32 v53, v50  }
0x5d: {  	v53 =	vld.idx.msk [tilespmem:v63+s8+$0x0], $0xffff  }
0x5e: {  	v63 =	vadd.s32 s2, v36;
	v50 =	vadd.f32 v60, v50  }
0x5f: {  	v60 =	vld.idx.msk [tilespmem:v61+s8+$0x0], $0xffff  }
0x60: {  	v61 =	vadd.s32 s2, v37;
	v50 =	vadd.f32 v52, v50  }
0x61: {  	v52 =	vld.idx.msk [tilespmem:v62+s8+$0x0], $0xffff  }
0x62: {  	v62 =	vadd.s32 s2, v38;
	v50 =	vadd.f32 v53, v50  }
0x63: {  	v53 =	vld.idx.msk [tilespmem:v63+s8+$0x0], $0xffff  }
0x64: {  	v63 =	vadd.s32 s2, v39;
	v50 =	vadd.f32 v60, v50  }
0x65: {  	v60 =	vld.idx.msk [tilespmem:v61+s8+$0x0], $0xffff  }
0x66: {  	v61 =	vadd.s32 s2, v40;
	v50 =	vadd.f32 v52, v50  }
0x67: {  	v52 =	vld.idx.msk [tilespmem:v62+s8+$0x0], $0xffff  }
0x68: {  	v62 =	vadd.s32 s2, v41;
	v50 =	vadd.f32 v53, v50  }
0x69: {  	v53 =	vld.idx.msk [tilespmem:v63+s8+$0x0], $0xffff  }
0x6a: {  	v63 =	vadd.s32 s2, v42;
	v50 =	vadd.f32 v60, v50  }
0x6b: {  	v60 =	vld.idx.msk [tilespmem:v61+s8+$0x0], $0xffff  }
0x6c: {  	v61 =	vadd.s32 s2, v43;
	v50 =	vadd.f32 v52, v50  }
0x6d: {  	v52 =	vld.idx.msk [tilespmem:v62+s8+$0x0], $0xffff  }
0x6e: {  	v62 =	vadd.s32 s2, v44;
	v50 =	vadd.f32 v53, v50  }
0x6f: {  	v53 =	vld.idx.msk [tilespmem:v63+s8+$0x0], $0xffff  }
0x70: {  	v63 =	vadd.s32 s2, v45;
	v50 =	vadd.f32 v60, v50  }
0x71: {  	v60 =	vld.idx.msk [tilespmem:v61+s8+$0x0], $0xffff  }
0x72: {  	v61 =	vadd.s32 s2, v46;
	v50 =	vadd.f32 v52, v50  }
0x73: {  	v52 =	vld.idx.msk [tilespmem:v62+s8+$0x0], $0xffff  }
0x74: {  	v62 =	vadd.s32 s2, v47;
	v50 =	vadd.f32 v53, v50  }
0x75: {  	v53 =	vld.idx.msk [tilespmem:v63+s8+$0x0], $0xffff  }
0x76: {  	v63 =	vadd.s32 s2, v48;
	v50 =	vadd.f32 v60, v50  }
0x77: {  	v60 =	vld.idx.msk [tilespmem:v61+s8+$0x0], $0xffff  }
0x78: {  	v61 =	vadd.s32 s2, v49;
	v50 =	vadd.f32 v52, v50  }
0x79: {  	v62 =	vld.idx.msk [tilespmem:v62+s8+$0x0], $0xffff  }
0x7a: {  	v50 =	vadd.f32 v53, v50  }
0x7b: {  	v63 =	vld.idx.msk [tilespmem:v63+s8+$0x0], $0xffff  }
0x7c: {  	v50 =	vadd.f32 v60, v50  }
0x7d: {  	v56 =	vld.idx.msk [tilespmem:v61+s8+$0x0], $0xffff  }
0x7e: {  	v50 =	vadd.f32 v62, v50  }
0x7f: {  	s12 =	simm.s32 $0x320  }
0x80: {  	v57 =	vadd.s32 s12, v1;
	v50 =	vadd.f32 v63, v50  }
0x81: {  	v58 =	vadd.s32 s12, v0  }
0x82: {  	v50 =	vadd.f32 v56, v50  }
0x83: {  	v59 =	vadd.s32 s12, v2  }
0x84: {  	[tilespmem:s10+$0x0] =	vst v50  }
0x85: {  	v60 =	vadd.s32 s12, v3;
	v50 =	vld.idx.msk [tilespmem:v57+s8+$0x0], $0xffff  }
0x86: {  	v53 =	vld.idx.msk [tilespmem:v58+s8+$0x0], $0xffff  }
0x87: {  	v61 =	vadd.s32 s12, v4  }
0x88: {  	v51 =	vld.idx.msk [tilespmem:v59+s8+$0x0], $0xffff  }
0x89: {  	v62 =	vadd.s32 s12, v5  }
0x8a: {  	v52 =	vld.idx.msk [tilespmem:v60+s8+$0x0], $0xffff  }
0x8b: {  	v63 =	vadd.s32 s12, v6;
	v50 =	vadd.f32 v50, v53  }
0x8c: {  	v53 =	vld.idx.msk [tilespmem:v61+s8+$0x0], $0xffff  }
0x8d: {  	v60 =	vadd.s32 s12, v7;
	v50 =	vadd.f32 v51, v50  }
0x8e: {  	v51 =	vld.idx.msk [tilespmem:v62+s8+$0x0], $0xffff  }
0x8f: {  	v61 =	vadd.s32 s12, v8;
	v50 =	vadd.f32 v52, v50  }
0x90: {  	v62 =	vld.idx.msk [tilespmem:v63+s8+$0x0], $0xffff  }
0x91: {  	v63 =	vadd.s32 s12, v9;
	v50 =	vadd.f32 v53, v50  }
0x92: {  	v53 =	vld.idx.msk [tilespmem:v60+s8+$0x0], $0xffff  }
0x93: {  	v60 =	vadd.s32 s12, v10;
	v50 =	vadd.f32 v51, v50  }
0x94: {  	v51 =	vld.idx.msk [tilespmem:v61+s8+$0x0], $0xffff  }
0x95: {  	v61 =	vadd.s32 s12, v11;
	v50 =	vadd.f32 v62, v50  }
0x96: {  	v62 =	vld.idx.msk [tilespmem:v63+s8+$0x0], $0xffff  }
0x97: {  	v63 =	vadd.s32 s12, v12;
	v50 =	vadd.f32 v53, v50  }
0x98: {  	v53 =	vld.idx.msk [tilespmem:v60+s8+$0x0], $0xffff  }
0x99: {  	v60 =	vadd.s32 s12, v13;
	v50 =	vadd.f32 v51, v50  }
0x9a: {  	v51 =	vld.idx.msk [tilespmem:v61+s8+$0x0], $0xffff  }
0x9b: {  	v61 =	vadd.s32 s12, v14;
	v50 =	vadd.f32 v62, v50  }
0x9c: {  	v62 =	vld.idx.msk [tilespmem:v63+s8+$0x0], $0xffff  }
0x9d: {  	v63 =	vadd.s32 s12, v15;
	v50 =	vadd.f32 v53, v50  }
0x9e: {  	v53 =	vld.idx.msk [tilespmem:v60+s8+$0x0], $0xffff  }
0x9f: {  	v60 =	vadd.s32 s12, v16;
	v50 =	vadd.f32 v51, v50  }
0xa0: {  	v51 =	vld.idx.msk [tilespmem:v61+s8+$0x0], $0xffff  }
0xa1: {  	v61 =	vadd.s32 s12, v17;
	v50 =	vadd.f32 v62, v50  }
0xa2: {  	v62 =	vld.idx.msk [tilespmem:v63+s8+$0x0], $0xffff  }
0xa3: {  	v63 =	vadd.s32 s12, v18;
	v50 =	vadd.f32 v53, v50  }
0xa4: {  	v53 =	vld.idx.msk [tilespmem:v60+s8+$0x0], $0xffff  }
0xa5: {  	v60 =	vadd.s32 s12, v19;
	v50 =	vadd.f32 v51, v50  }
0xa6: {  	v51 =	vld.idx.msk [tilespmem:v61+s8+$0x0], $0xffff  }
0xa7: {  	v61 =	vadd.s32 s12, v20;
	v50 =	vadd.f32 v62, v50  }
0xa8: {  	v62 =	vld.idx.msk [tilespmem:v63+s8+$0x0], $0xffff  }
0xa9: {  	v63 =	vadd.s32 s12, v21;
	v50 =	vadd.f32 v53, v50  }
0xaa: {  	v53 =	vld.idx.msk [tilespmem:v60+s8+$0x0], $0xffff  }
0xab: {  	v60 =	vadd.s32 s12, v22;
	v50 =	vadd.f32 v51, v50  }
0xac: {  	v51 =	vld.idx.msk [tilespmem:v61+s8+$0x0], $0xffff  }
0xad: {  	v61 =	vadd.s32 s12, v23;
	v50 =	vadd.f32 v62, v50  }
0xae: {  	v62 =	vld.idx.msk [tilespmem:v63+s8+$0x0], $0xffff  }
0xaf: {  	v63 =	vadd.s32 s12, v24;
	v50 =	vadd.f32 v53, v50  }
0xb0: {  	v53 =	vld.idx.msk [tilespmem:v60+s8+$0x0], $0xffff  }
0xb1: {  	v60 =	vadd.s32 s12, v25;
	v50 =	vadd.f32 v51, v50  }
0xb2: {  	v51 =	vld.idx.msk [tilespmem:v61+s8+$0x0], $0xffff  }
0xb3: {  	v61 =	vadd.s32 s12, v26;
	v50 =	vadd.f32 v62, v50  }
0xb4: {  	v62 =	vld.idx.msk [tilespmem:v63+s8+$0x0], $0xffff  }
0xb5: {  	v63 =	vadd.s32 s12, v27;
	v50 =	vadd.f32 v53, v50  }
0xb6: {  	v53 =	vld.idx.msk [tilespmem:v60+s8+$0x0], $0xffff  }
0xb7: {  	v60 =	vadd.s32 s12, v28;
	v50 =	vadd.f32 v51, v50  }
0xb8: {  	v51 =	vld.idx.msk [tilespmem:v61+s8+$0x0], $0xffff  }
0xb9: {  	v61 =	vadd.s32 s12, v29;
	v50 =	vadd.f32 v62, v50  }
0xba: {  	v62 =	vld.idx.msk [tilespmem:v63+s8+$0x0], $0xffff  }
0xbb: {  	v63 =	vadd.s32 s12, v30;
	v50 =	vadd.f32 v53, v50  }
0xbc: {  	v53 =	vld.idx.msk [tilespmem:v60+s8+$0x0], $0xffff  }
0xbd: {  	v60 =	vadd.s32 s12, v31;
	v50 =	vadd.f32 v51, v50  }
0xbe: {  	v51 =	vld.idx.msk [tilespmem:v61+s8+$0x0], $0xffff  }
0xbf: {  	v61 =	vadd.s32 s12, v32;
	v50 =	vadd.f32 v62, v50  }
0xc0: {  	v62 =	vld.idx.msk [tilespmem:v63+s8+$0x0], $0xffff  }
0xc1: {  	v63 =	vadd.s32 s12, v33;
	v50 =	vadd.f32 v53, v50  }
0xc2: {  	v53 =	vld.idx.msk [tilespmem:v60+s8+$0x0], $0xffff  }
0xc3: {  	v60 =	vadd.s32 s12, v34;
	v50 =	vadd.f32 v51, v50  }
0xc4: {  	v51 =	vld.idx.msk [tilespmem:v61+s8+$0x0], $0xffff  }
0xc5: {  	v61 =	vadd.s32 s12, v35;
	v50 =	vadd.f32 v62, v50  }
0xc6: {  	v62 =	vld.idx.msk [tilespmem:v63+s8+$0x0], $0xffff  }
0xc7: {  	v63 =	vadd.s32 s12, v36;
	v50 =	vadd.f32 v53, v50  }
0xc8: {  	v53 =	vld.idx.msk [tilespmem:v60+s8+$0x0], $0xffff  }
0xc9: {  	v60 =	vadd.s32 s12, v37;
	v50 =	vadd.f32 v51, v50  }
0xca: {  	v51 =	vld.idx.msk [tilespmem:v61+s8+$0x0], $0xffff  }
0xcb: {  	v61 =	vadd.s32 s12, v38;
	v50 =	vadd.f32 v62, v50  }
0xcc: {  	v62 =	vld.idx.msk [tilespmem:v63+s8+$0x0], $0xffff  }
0xcd: {  	v63 =	vadd.s32 s12, v39;
	v50 =	vadd.f32 v53, v50  }
0xce: {  	v53 =	vld.idx.msk [tilespmem:v60+s8+$0x0], $0xffff  }
0xcf: {  	v60 =	vadd.s32 s12, v40;
	v50 =	vadd.f32 v51, v50  }
0xd0: {  	v51 =	vld.idx.msk [tilespmem:v61+s8+$0x0], $0xffff  }
0xd1: {  	v61 =	vadd.s32 s12, v41;
	v50 =	vadd.f32 v62, v50  }
0xd2: {  	v62 =	vld.idx.msk [tilespmem:v63+s8+$0x0], $0xffff  }
0xd3: {  	v63 =	vadd.s32 s12, v42;
	v50 =	vadd.f32 v53, v50  }
0xd4: {  	v53 =	vld.idx.msk [tilespmem:v60+s8+$0x0], $0xffff  }
0xd5: {  	v60 =	vadd.s32 s12, v43;
	v50 =	vadd.f32 v51, v50  }
0xd6: {  	v51 =	vld.idx.msk [tilespmem:v61+s8+$0x0], $0xffff  }
0xd7: {  	v61 =	vadd.s32 s12, v44;
	v50 =	vadd.f32 v62, v50  }
0xd8: {  	v62 =	vld.idx.msk [tilespmem:v63+s8+$0x0], $0xffff  }
0xd9: {  	v63 =	vadd.s32 s12, v45;
	v50 =	vadd.f32 v53, v50  }
0xda: {  	v53 =	vld.idx.msk [tilespmem:v60+s8+$0x0], $0xffff  }
0xdb: {  	v50 =	vadd.f32 v51, v50  }
0xdc: {  	v51 =	vld.idx.msk [tilespmem:v61+s8+$0x0], $0xffff  }
0xdd: {  	v60 =	vadd.s32 s12, v46;
	v50 =	vadd.f32 v62, v50  }
0xde: {  	v62 =	vld.idx.msk [tilespmem:v63+s8+$0x0], $0xffff  }
0xdf: {  	v61 =	vadd.s32 s12, v47;
	v50 =	vadd.f32 v53, v50;
	_ =	sdelay $0x1  }
0xe0: {  	v63 =	vadd.s32 s12, v48;
	v50 =	vadd.f32 v51, v50  }
0xe1: {  	v60 =	vld.idx.msk [tilespmem:v60+s8+$0x0], $0xffff  }
0xe2: {  	v50 =	vadd.f32 v62, v50;
	v62 =	vadd.s32 s12, v49  }
0xe3: {  	v61 =	vld.idx.msk [tilespmem:v61+s8+$0x0], $0xffff;
	_ =	sdelay $0x1  }
0xe4: {  	v63 =	vld.idx.msk [tilespmem:v63+s8+$0x0], $0xffff  }
0xe5: {  	v50 =	vadd.f32 v60, v50  }
0xe6: {  	v52 =	vld.idx.msk [tilespmem:v62+s8+$0x0], $0xffff  }
0xe7: {  	v51 =	vadd.f32 v61, v50  }
0xe8: {  	s12 =	simm.s32 $0x640  }
0xe9: {  	v50 =	vadd.s32 s12, v1;
	v53 =	vadd.f32 v63, v51  }
0xea: {  	s14 =	simm.s32 $0x960;
	s13 =	simm.s32 $0xC800;
	v51 =	vadd.s32 s12, v0  }
.LBB2_2:
0xeb: {  	p0 =	sne.s32 s14, $0x60E0;
	v52 =	vadd.f32 v52, v53  }
0xec: {  	v53 =	vadd.s32 s12, v2;
	s13 =	sadd.s32 $0x10, s13  }
0xed: {  	[tilespmem:s13+$0x0] =	vst v52  }
0xee: {  	v52 =	vadd.s32 s12, v3;
	v50 =	vld.idx.msk [tilespmem:v50+s8+$0x0], $0xffff  }
0xef: {  	v51 =	vld.idx.msk [tilespmem:v51+s8+$0x0], $0xffff  }
0xf0: {  	v54 =	vadd.s32 s12, v4  }
0xf1: {  	v53 =	vld.idx.msk [tilespmem:v53+s8+$0x0], $0xffff  }
0xf2: {  	v55 =	vadd.s32 s12, v5  }
0xf3: {  	v52 =	vld.idx.msk [tilespmem:v52+s8+$0x0], $0xffff  }
0xf4: {  	v56 =	vadd.s32 s12, v6  }
0xf5: {  	v50 =	vadd.f32 v50, v51;
	v51 =	vld.idx.msk [tilespmem:v54+s8+$0x0], $0xffff  }
0xf6: {  	v54 =	vadd.s32 s12, v7  }
0xf7: {  	v50 =	vadd.f32 v53, v50;
	v53 =	vld.idx.msk [tilespmem:v55+s8+$0x0], $0xffff  }
0xf8: {  	v55 =	vadd.s32 s12, v8  }
0xf9: {  	v50 =	vadd.f32 v52, v50;
	v52 =	vld.idx.msk [tilespmem:v56+s8+$0x0], $0xffff  }
0xfa: {  	v56 =	vadd.s32 s12, v9  }
0xfb: {  	v50 =	vadd.f32 v51, v50;
	v51 =	vld.idx.msk [tilespmem:v54+s8+$0x0], $0xffff  }
0xfc: {  	v54 =	vadd.s32 s12, v10  }
0xfd: {  	v50 =	vadd.f32 v53, v50;
	v53 =	vld.idx.msk [tilespmem:v55+s8+$0x0], $0xffff  }
0xfe: {  	v55 =	vadd.s32 s12, v11  }
0xff: {  	v50 =	vadd.f32 v52, v50;
	v52 =	vld.idx.msk [tilespmem:v56+s8+$0x0], $0xffff  }
0x100: {  	v56 =	vadd.s32 s12, v12  }
0x101: {  	v50 =	vadd.f32 v51, v50;
	v51 =	vld.idx.msk [tilespmem:v54+s8+$0x0], $0xffff  }
0x102: {  	v54 =	vadd.s32 s12, v13  }
0x103: {  	v50 =	vadd.f32 v53, v50;
	v53 =	vld.idx.msk [tilespmem:v55+s8+$0x0], $0xffff  }
0x104: {  	v55 =	vadd.s32 s12, v14  }
0x105: {  	v50 =	vadd.f32 v52, v50;
	v52 =	vld.idx.msk [tilespmem:v56+s8+$0x0], $0xffff  }
0x106: {  	v56 =	vadd.s32 s12, v15  }
0x107: {  	v50 =	vadd.f32 v51, v50;
	v51 =	vld.idx.msk [tilespmem:v54+s8+$0x0], $0xffff  }
0x108: {  	v54 =	vadd.s32 s12, v16  }
0x109: {  	v50 =	vadd.f32 v53, v50;
	v53 =	vld.idx.msk [tilespmem:v55+s8+$0x0], $0xffff  }
0x10a: {  	v55 =	vadd.s32 s12, v17  }
0x10b: {  	v50 =	vadd.f32 v52, v50;
	v52 =	vld.idx.msk [tilespmem:v56+s8+$0x0], $0xffff  }
0x10c: {  	v56 =	vadd.s32 s12, v18  }
0x10d: {  	v50 =	vadd.f32 v51, v50;
	v51 =	vld.idx.msk [tilespmem:v54+s8+$0x0], $0xffff  }
0x10e: {  	v54 =	vadd.s32 s12, v19  }
0x10f: {  	v50 =	vadd.f32 v53, v50;
	v53 =	vld.idx.msk [tilespmem:v55+s8+$0x0], $0xffff  }
0x110: {  	v55 =	vadd.s32 s12, v20  }
0x111: {  	v50 =	vadd.f32 v52, v50;
	v52 =	vld.idx.msk [tilespmem:v56+s8+$0x0], $0xffff  }
0x112: {  	v56 =	vadd.s32 s12, v21  }
0x113: {  	v50 =	vadd.f32 v51, v50;
	v51 =	vld.idx.msk [tilespmem:v54+s8+$0x0], $0xffff  }
0x114: {  	v54 =	vadd.s32 s12, v22  }
0x115: {  	v50 =	vadd.f32 v53, v50;
	v53 =	vld.idx.msk [tilespmem:v55+s8+$0x0], $0xffff  }
0x116: {  	v55 =	vadd.s32 s12, v23  }
0x117: {  	v50 =	vadd.f32 v52, v50;
	v52 =	vld.idx.msk [tilespmem:v56+s8+$0x0], $0xffff  }
0x118: {  	v56 =	vadd.s32 s12, v24  }
0x119: {  	v50 =	vadd.f32 v51, v50;
	v51 =	vld.idx.msk [tilespmem:v54+s8+$0x0], $0xffff  }
0x11a: {  	v54 =	vadd.s32 s12, v25  }
0x11b: {  	v50 =	vadd.f32 v53, v50;
	v53 =	vld.idx.msk [tilespmem:v55+s8+$0x0], $0xffff  }
0x11c: {  	v55 =	vadd.s32 s12, v26  }
0x11d: {  	v50 =	vadd.f32 v52, v50;
	v52 =	vld.idx.msk [tilespmem:v56+s8+$0x0], $0xffff  }
0x11e: {  	v56 =	vadd.s32 s12, v27  }
0x11f: {  	v50 =	vadd.f32 v51, v50;
	v51 =	vld.idx.msk [tilespmem:v54+s8+$0x0], $0xffff  }
0x120: {  	v54 =	vadd.s32 s12, v28  }
0x121: {  	v50 =	vadd.f32 v53, v50;
	v53 =	vld.idx.msk [tilespmem:v55+s8+$0x0], $0xffff  }
0x122: {  	v55 =	vadd.s32 s12, v29  }
0x123: {  	v50 =	vadd.f32 v52, v50;
	v52 =	vld.idx.msk [tilespmem:v56+s8+$0x0], $0xffff  }
0x124: {  	v56 =	vadd.s32 s12, v30  }
0x125: {  	v50 =	vadd.f32 v51, v50;
	v51 =	vld.idx.msk [tilespmem:v54+s8+$0x0], $0xffff  }
0x126: {  	v54 =	vadd.s32 s12, v31  }
0x127: {  	v50 =	vadd.f32 v53, v50;
	v53 =	vld.idx.msk [tilespmem:v55+s8+$0x0], $0xffff  }
0x128: {  	v55 =	vadd.s32 s12, v32  }
0x129: {  	v50 =	vadd.f32 v52, v50;
	v52 =	vld.idx.msk [tilespmem:v56+s8+$0x0], $0xffff  }
0x12a: {  	v56 =	vadd.s32 s12, v33  }
0x12b: {  	v50 =	vadd.f32 v51, v50;
	v51 =	vld.idx.msk [tilespmem:v54+s8+$0x0], $0xffff  }
0x12c: {  	v54 =	vadd.s32 s12, v34  }
0x12d: {  	v50 =	vadd.f32 v53, v50;
	v53 =	vld.idx.msk [tilespmem:v55+s8+$0x0], $0xffff  }
0x12e: {  	v55 =	vadd.s32 s12, v35  }
0x12f: {  	v50 =	vadd.f32 v52, v50;
	v52 =	vld.idx.msk [tilespmem:v56+s8+$0x0], $0xffff  }
0x130: {  	v56 =	vadd.s32 s12, v36  }
0x131: {  	v50 =	vadd.f32 v51, v50;
	v51 =	vld.idx.msk [tilespmem:v54+s8+$0x0], $0xffff  }
0x132: {  	v54 =	vadd.s32 s12, v37  }
0x133: {  	v50 =	vadd.f32 v53, v50;
	v53 =	vld.idx.msk [tilespmem:v55+s8+$0x0], $0xffff  }
0x134: {  	v55 =	vadd.s32 s12, v38  }
0x135: {  	v50 =	vadd.f32 v52, v50;
	v52 =	vld.idx.msk [tilespmem:v56+s8+$0x0], $0xffff  }
0x136: {  	v56 =	vadd.s32 s12, v39  }
0x137: {  	v50 =	vadd.f32 v51, v50;
	v51 =	vld.idx.msk [tilespmem:v54+s8+$0x0], $0xffff  }
0x138: {  	v54 =	vadd.s32 s12, v40  }
0x139: {  	v50 =	vadd.f32 v53, v50;
	v53 =	vld.idx.msk [tilespmem:v55+s8+$0x0], $0xffff  }
0x13a: {  	v55 =	vadd.s32 s12, v41  }
0x13b: {  	v50 =	vadd.f32 v52, v50;
	v52 =	vld.idx.msk [tilespmem:v56+s8+$0x0], $0xffff  }
0x13c: {  	v56 =	vadd.s32 s12, v42  }
0x13d: {  	v50 =	vadd.f32 v51, v50;
	v51 =	vld.idx.msk [tilespmem:v54+s8+$0x0], $0xffff  }
0x13e: {  	v54 =	vadd.s32 s12, v43  }
0x13f: {  	v50 =	vadd.f32 v53, v50;
	v53 =	vld.idx.msk [tilespmem:v55+s8+$0x0], $0xffff  }
0x140: {  	v55 =	vadd.s32 s12, v44  }
0x141: {  	v50 =	vadd.f32 v52, v50;
	v52 =	vld.idx.msk [tilespmem:v56+s8+$0x0], $0xffff  }
0x142: {  	v56 =	vadd.s32 s12, v45  }
0x143: {  	v50 =	vadd.f32 v51, v50;
	v51 =	vld.idx.msk [tilespmem:v54+s8+$0x0], $0xffff  }
0x144: {  	v54 =	vadd.s32 s12, v46  }
0x145: {  	v50 =	vadd.f32 v53, v50;
	v53 =	vld.idx.msk [tilespmem:v55+s8+$0x0], $0xffff  }
0x146: {  	v55 =	vadd.s32 s12, v47  }
0x147: {  	v50 =	vadd.f32 v52, v50;
	v52 =	vld.idx.msk [tilespmem:v56+s8+$0x0], $0xffff  }
0x148: {  	v56 =	vadd.s32 s12, v48  }
0x149: {  	v50 =	vadd.f32 v51, v50;
	v51 =	vld.idx.msk [tilespmem:v54+s8+$0x0], $0xffff  }
0x14a: {  	v54 =	vadd.s32 s12, v49;
	s12 =	smov.u32 s14  }
0x14b: {  	v50 =	vadd.f32 v53, v50;
	v53 =	vld.idx.msk [tilespmem:v55+s8+$0x0], $0xffff;
	_ =	sdelay $0x1  }
0x14c: {  	v50 =	vadd.f32 v52, v50;
	v55 =	vld.idx.msk [tilespmem:v56+s8+$0x0], $0xffff;
	_ =	sdelay $0x1  }
0x14d: {  	v50 =	vadd.f32 v51, v50;
	v52 =	vld.idx.msk [tilespmem:v54+s8+$0x0], $0xffff  }
.Ltmp0:
0x14e: {  	(pc) =	sbr.rel @p0 .LBB2_2-.Ltmp0, $3  }
0x14f: {  	v51 =	vadd.f32 v53, v50;
	_ =	sdelay $0x1  }
0x150: {  	v50 =	vadd.s32 s14, v1;
	v53 =	vadd.f32 v55, v51  }
0x151: {  	s14 =	sadd.s32 $0x320, s14;
	v51 =	vadd.s32 s12, v0  }
0x152: {  	_ = 	snop  }
0x153: {  	v52 =	vadd.f32 v52, v53  }
0x154: {  	v58 =	vadd.s32 s12, v2;
	s13 =	sadd.s32 $0x10, s13  }
0x155: {  	[tilespmem:s13+$0x0] =	vst v52  }
0x156: {  	v59 =	vadd.s32 s12, v3;
	v50 =	vld.idx.msk [tilespmem:v50+s8+$0x0], $0xffff  }
0x157: {  	v51 =	vld.idx.msk [tilespmem:v51+s8+$0x0], $0xffff  }
0x158: {  	v54 =	vadd.s32 s12, v4  }
0x159: {  	v53 =	vld.idx.msk [tilespmem:v58+s8+$0x0], $0xffff  }
0x15a: {  	v55 =	vadd.s32 s12, v5  }
0x15b: {  	v52 =	vld.idx.msk [tilespmem:v59+s8+$0x0], $0xffff  }
0x15c: {  	v56 =	vadd.s32 s12, v6;
	v50 =	vadd.f32 v50, v51  }
0x15d: {  	v51 =	vld.idx.msk [tilespmem:v54+s8+$0x0], $0xffff  }
0x15e: {  	v60 =	vadd.s32 s12, v7;
	v50 =	vadd.f32 v53, v50  }
0x15f: {  	v53 =	vld.idx.msk [tilespmem:v55+s8+$0x0], $0xffff  }
0x160: {  	v61 =	vadd.s32 s12, v8;
	v50 =	vadd.f32 v52, v50  }
0x161: {  	v62 =	vld.idx.msk [tilespmem:v56+s8+$0x0], $0xffff  }
0x162: {  	v63 =	vadd.s32 s12, v9;
	v50 =	vadd.f32 v51, v50  }
0x163: {  	v51 =	vld.idx.msk [tilespmem:v60+s8+$0x0], $0xffff  }
0x164: {  	v60 =	vadd.s32 s12, v10;
	v50 =	vadd.f32 v53, v50  }
0x165: {  	v53 =	vld.idx.msk [tilespmem:v61+s8+$0x0], $0xffff  }
0x166: {  	v61 =	vadd.s32 s12, v11;
	v50 =	vadd.f32 v62, v50  }
0x167: {  	v62 =	vld.idx.msk [tilespmem:v63+s8+$0x0], $0xffff  }
0x168: {  	v63 =	vadd.s32 s12, v12;
	v50 =	vadd.f32 v51, v50  }
0x169: {  	v51 =	vld.idx.msk [tilespmem:v60+s8+$0x0], $0xffff  }
0x16a: {  	v60 =	vadd.s32 s12, v13;
	v50 =	vadd.f32 v53, v50  }
0x16b: {  	v53 =	vld.idx.msk [tilespmem:v61+s8+$0x0], $0xffff  }
0x16c: {  	v61 =	vadd.s32 s12, v14;
	v50 =	vadd.f32 v62, v50  }
0x16d: {  	v62 =	vld.idx.msk [tilespmem:v63+s8+$0x0], $0xffff  }
0x16e: {  	v63 =	vadd.s32 s12, v15;
	v50 =	vadd.f32 v51, v50  }
0x16f: {  	v51 =	vld.idx.msk [tilespmem:v60+s8+$0x0], $0xffff  }
0x170: {  	v60 =	vadd.s32 s12, v16;
	v50 =	vadd.f32 v53, v50  }
0x171: {  	v53 =	vld.idx.msk [tilespmem:v61+s8+$0x0], $0xffff  }
0x172: {  	v61 =	vadd.s32 s12, v17;
	v50 =	vadd.f32 v62, v50  }
0x173: {  	v62 =	vld.idx.msk [tilespmem:v63+s8+$0x0], $0xffff  }
0x174: {  	v63 =	vadd.s32 s12, v18;
	v50 =	vadd.f32 v51, v50  }
0x175: {  	v51 =	vld.idx.msk [tilespmem:v60+s8+$0x0], $0xffff  }
0x176: {  	v60 =	vadd.s32 s12, v19;
	v50 =	vadd.f32 v53, v50  }
0x177: {  	v53 =	vld.idx.msk [tilespmem:v61+s8+$0x0], $0xffff  }
0x178: {  	v61 =	vadd.s32 s12, v20;
	v50 =	vadd.f32 v62, v50  }
0x179: {  	v62 =	vld.idx.msk [tilespmem:v63+s8+$0x0], $0xffff  }
0x17a: {  	v63 =	vadd.s32 s12, v21;
	v50 =	vadd.f32 v51, v50  }
0x17b: {  	v51 =	vld.idx.msk [tilespmem:v60+s8+$0x0], $0xffff  }
0x17c: {  	v60 =	vadd.s32 s12, v22;
	v50 =	vadd.f32 v53, v50  }
0x17d: {  	v53 =	vld.idx.msk [tilespmem:v61+s8+$0x0], $0xffff  }
0x17e: {  	v61 =	vadd.s32 s12, v23;
	v50 =	vadd.f32 v62, v50  }
0x17f: {  	v62 =	vld.idx.msk [tilespmem:v63+s8+$0x0], $0xffff  }
0x180: {  	v63 =	vadd.s32 s12, v24;
	v50 =	vadd.f32 v51, v50  }
0x181: {  	v51 =	vld.idx.msk [tilespmem:v60+s8+$0x0], $0xffff  }
0x182: {  	v60 =	vadd.s32 s12, v25;
	v50 =	vadd.f32 v53, v50  }
0x183: {  	v53 =	vld.idx.msk [tilespmem:v61+s8+$0x0], $0xffff  }
0x184: {  	v61 =	vadd.s32 s12, v26;
	v50 =	vadd.f32 v62, v50  }
0x185: {  	v62 =	vld.idx.msk [tilespmem:v63+s8+$0x0], $0xffff  }
0x186: {  	v63 =	vadd.s32 s12, v27;
	v50 =	vadd.f32 v51, v50  }
0x187: {  	v51 =	vld.idx.msk [tilespmem:v60+s8+$0x0], $0xffff  }
0x188: {  	v60 =	vadd.s32 s12, v28;
	v50 =	vadd.f32 v53, v50  }
0x189: {  	v53 =	vld.idx.msk [tilespmem:v61+s8+$0x0], $0xffff  }
0x18a: {  	v61 =	vadd.s32 s12, v29;
	v50 =	vadd.f32 v62, v50  }
0x18b: {  	v62 =	vld.idx.msk [tilespmem:v63+s8+$0x0], $0xffff  }
0x18c: {  	v63 =	vadd.s32 s12, v30;
	v50 =	vadd.f32 v51, v50  }
0x18d: {  	v51 =	vld.idx.msk [tilespmem:v60+s8+$0x0], $0xffff  }
0x18e: {  	v60 =	vadd.s32 s12, v31;
	v50 =	vadd.f32 v53, v50  }
0x18f: {  	v53 =	vld.idx.msk [tilespmem:v61+s8+$0x0], $0xffff  }
0x190: {  	v61 =	vadd.s32 s12, v32;
	v50 =	vadd.f32 v62, v50  }
0x191: {  	v62 =	vld.idx.msk [tilespmem:v63+s8+$0x0], $0xffff  }
0x192: {  	v63 =	vadd.s32 s12, v33;
	v50 =	vadd.f32 v51, v50  }
0x193: {  	v51 =	vld.idx.msk [tilespmem:v60+s8+$0x0], $0xffff  }
0x194: {  	v60 =	vadd.s32 s12, v34;
	v50 =	vadd.f32 v53, v50  }
0x195: {  	v53 =	vld.idx.msk [tilespmem:v61+s8+$0x0], $0xffff  }
0x196: {  	v61 =	vadd.s32 s12, v35;
	v50 =	vadd.f32 v62, v50  }
0x197: {  	v62 =	vld.idx.msk [tilespmem:v63+s8+$0x0], $0xffff  }
0x198: {  	v63 =	vadd.s32 s12, v36;
	v50 =	vadd.f32 v51, v50  }
0x199: {  	v51 =	vld.idx.msk [tilespmem:v60+s8+$0x0], $0xffff  }
0x19a: {  	v60 =	vadd.s32 s12, v37;
	v50 =	vadd.f32 v53, v50  }
0x19b: {  	v53 =	vld.idx.msk [tilespmem:v61+s8+$0x0], $0xffff  }
0x19c: {  	v61 =	vadd.s32 s12, v38;
	v50 =	vadd.f32 v62, v50  }
0x19d: {  	v62 =	vld.idx.msk [tilespmem:v63+s8+$0x0], $0xffff  }
0x19e: {  	v63 =	vadd.s32 s12, v39;
	v50 =	vadd.f32 v51, v50  }
0x19f: {  	v51 =	vld.idx.msk [tilespmem:v60+s8+$0x0], $0xffff  }
0x1a0: {  	v60 =	vadd.s32 s12, v40;
	v50 =	vadd.f32 v53, v50  }
0x1a1: {  	v53 =	vld.idx.msk [tilespmem:v61+s8+$0x0], $0xffff  }
0x1a2: {  	v61 =	vadd.s32 s12, v41;
	v50 =	vadd.f32 v62, v50  }
0x1a3: {  	v62 =	vld.idx.msk [tilespmem:v63+s8+$0x0], $0xffff  }
0x1a4: {  	v63 =	vadd.s32 s12, v42;
	v50 =	vadd.f32 v51, v50  }
0x1a5: {  	v51 =	vld.idx.msk [tilespmem:v60+s8+$0x0], $0xffff  }
0x1a6: {  	v60 =	vadd.s32 s12, v43;
	v50 =	vadd.f32 v53, v50  }
0x1a7: {  	v53 =	vld.idx.msk [tilespmem:v61+s8+$0x0], $0xffff  }
0x1a8: {  	v61 =	vadd.s32 s12, v44;
	v50 =	vadd.f32 v62, v50  }
0x1a9: {  	v62 =	vld.idx.msk [tilespmem:v63+s8+$0x0], $0xffff  }
0x1aa: {  	v63 =	vadd.s32 s12, v45;
	v50 =	vadd.f32 v51, v50  }
0x1ab: {  	v51 =	vld.idx.msk [tilespmem:v60+s8+$0x0], $0xffff  }
0x1ac: {  	v60 =	vadd.s32 s12, v46;
	v50 =	vadd.f32 v53, v50  }
0x1ad: {  	v53 =	vld.idx.msk [tilespmem:v61+s8+$0x0], $0xffff  }
0x1ae: {  	v61 =	vadd.s32 s12, v47;
	v50 =	vadd.f32 v62, v50  }
0x1af: {  	v62 =	vld.idx.msk [tilespmem:v63+s8+$0x0], $0xffff  }
0x1b0: {  	v63 =	vadd.s32 s12, v48;
	v50 =	vadd.f32 v51, v50  }
0x1b1: {  	v59 =	vld.idx.msk [tilespmem:v60+s8+$0x0], $0xffff  }
0x1b2: {  	v60 =	vadd.s32 s12, v49;
	v50 =	vadd.f32 v53, v50  }
0x1b3: {  	v61 =	vld.idx.msk [tilespmem:v61+s8+$0x0], $0xffff  }
0x1b4: {  	v50 =	vadd.f32 v62, v50  }
0x1b5: {  	v62 =	vld.idx.msk [tilespmem:v63+s8+$0x0], $0xffff  }
0x1b6: {  	v50 =	vadd.f32 v59, v50  }
0x1b7: {  	v63 =	vld.idx.msk [tilespmem:v60+s8+$0x0], $0xffff  }
0x1b8: {  	v50 =	vadd.f32 v61, v50;
	_ =	sdelay $0x1  }
0x1b9: {  	v50 =	vadd.f32 v62, v50;
	_ =	sdelay $0x1  }
0x1ba: {  	s11 =	sadd.s32 $0x1, s11;
	v50 =	vadd.f32 v63, v50  }
0x1bb: {  	s31 =	sadd.s32 $0x10, s13;
	p0 =	sne.s32 s11, s6  }
.Ltmp1:
0x1bc: {  	[tilespmem:s31+$0x0] =	vst v50;
	(pc) =	sbr.rel @p0 .LBB2_1-.Ltmp1, $4  }
0x1bd: {  	[hbm4b:s5+s2] =	stream.linear.scatter [tilespmem:s10], [sflag:$0x2], $0x200, $0x38;
	[tilespmem:$0xCA00] =	vst v63  }
0x1be: {  	_ =	swait.ge [sflag:s7], $0x200  }
0x1bf: {  	[sflag:s7] =	ssyncset.done $0x0  }
0x1c0: {  	[sflag:s7] =	ssyncadd.s32 $0xFFFFFE00  }
0x1c1: {  	_ =	sfence.sel $0x180000  }
0x1c2: {  	[bflag:$0x0] =	sbarrier.arrive $0xFFFF  }
0x1c3: {  	p0 =	sne.s32 s0, $0x0;
	_ =	strace $0x90000047  }
0x1c4: {  	s0 =	sadd.s32 @!p0 $0x100000, s1;
	[bflag:$0x2] =	sbarrier.arrive $0xFFFF  }
0x1c5: {  	[sflag:s0] =	ssyncadd.tile.s32 @!p0 $0x1;
	_ =	shalt  }
.Lfunc_end2:
_tile_overlayer_lowered:
.L_overlay_start_2:
0x1c6: {  	(tag) =	ssettag $0x2  }
0x1c7: {  	s0 =	rddreg [dreg:$0x0];
	s2 =	stileid.u32  }
0x1c8: {  	s1 =	rddreg [dreg:$0x1];
	p0 =	sne.s32 s2, $0x0  }
0x1c9: {  	s3 =	rddreg [dreg:$0x2];
	[bflag:$0x3] =	sbarrier.arrive $0xFFFF;
	s2 =	simm.s32 @!p0 $0x1C02  }
0x1ca: {  	[timem:s3], [sflag:s2] =	dma.local @!p0 [hbm:s0], s1  }
0x1cb: {  	s0 =	simm.s32 @!p0 $0x2  }
0x1cc: {  	_ =	swait.ge @!p0 [sflag:s0], s1  }
0x1cd: {  	s1 =	ssub.s32 @!p0 $0x0, s1;
	[sflag:s0] =	ssyncset.done @!p0 $0x0  }
0x1ce: {  	[sflag:s0] =	ssyncadd.s32 @!p0 s1  }
0x1cf: {  	[bflag:$0x3] =	sbarrier.arrive $0xFFFF  }
0x1d0: {  	_ =	shalt  }

</sc_bundles>
